<compile_context>
chip_gen: v7x
topology: tpu7x:2x2x1
jax: 0.10.2.dev20260603
libtpu: 0.0.44.dev20260713+nightly
codegen_flags: <defaults>
</compile_context>

<pallas_src>
import functools

import jax
import jax.numpy as jnp
from jax import lax
from jax.experimental import pallas as pl
from jax.experimental.pallas import tpu as pltpu
from jax.experimental.pallas import tpu_sc as plsc

CH = 64
RPS = 100
NB = 8


def kernel(x, pe):
    b0, b1, _ = x.shape
    halves = b1 // RPS
    nchunks = b0 * halves
    idx2d = x.astype(jnp.int32).reshape(nchunks, RPS)
    nrows = pe.shape[0]

    info = plsc.get_sparse_core_info()
    nw = info.num_cores * info.num_subcores
    cpw = nchunks // nw
    mesh = plsc.VectorSubcoreMesh(core_axis_name="c", subcore_axis_name="s")

    @functools.partial(
        pl.kernel,
        mesh=mesh,
        out_type=jax.ShapeDtypeStruct((b0, b1, 2 * CH), jnp.float32),
        compiler_params=pltpu.CompilerParams(use_tc_tiling_on_sc=False),
        scratch_types=[
            pltpu.VMEM((cpw, RPS), jnp.int32),
            pltpu.VMEM((NB, RPS, CH), jnp.float32),
            pltpu.VMEM_SHARED((nrows, CH), jnp.float32),
            pltpu.SemaphoreType.DMA((NB,)),
            pltpu.SemaphoreType.DMA((NB,)),
        ],
    )
    def _lookup(idx_hbm, pe_hbm, out_hbm, idx_v, rows_v, tbl_s, gsem, ssem):
        sid = lax.axis_index("s")
        wid = sid * info.num_cores + lax.axis_index("c")
        base = wid * cpw

        @pl.when(sid == 0)
        def _():
            pltpu.sync_copy(pe_hbm, tbl_s)

        pltpu.sync_copy(idx_hbm.at[pl.ds(base, cpw)], idx_v)
        plsc.subcore_barrier()

        def gather(g, b):
            return pltpu.make_async_copy(
                tbl_s.at[idx_v.at[g]], rows_v.at[b], gsem.at[b]
            )

        def scatter(g, b):
            c = base + g
            dst = out_hbm.at[
                c // halves, pl.ds((c % halves) * RPS, RPS), pl.ds(0, CH)
            ]
            return pltpu.make_async_copy(rows_v.at[b], dst, ssem.at[b])

        for b in range(NB):
            gather(b, b).start()

        def body(o, _):
            for b in range(NB):
                g = o * NB + b
                gather(g, b).wait()
                sc = scatter(g, b)
                sc.start()
                sc.wait()

                @pl.when(g + NB < cpw)
                def _():
                    gather(g + NB, b).start()

            return ()

        lax.fori_loop(0, cpw // NB, body, (), unroll=False)

    return _lookup(idx2d, pe)[:, :, :CH]

# --- scband reference (transcript-rebuilt; emitter-appended) ---
"""Pipeline reference for scband-positional-encoding-16398185136586 (READ-ONLY COPY).

The authoritative reference and input builder live on the scoring server;
editing this copy changes nothing except your own understanding.
"""

import jax, jax.numpy as jnp
import numpy as np

CHANNELS = 64
MAX_LEN = 2048
W = 1.0

def positional_encoding(channels, max_len, w):
    pos = np.arange(max_len, dtype=np.float32)[:, None]
    div = np.exp(np.arange(0, channels, 2, dtype=np.float32) * (-np.log(10000.0) / channels))
    pe = np.zeros((max_len, channels), dtype=np.float32)
    pe[:, 0::2] = np.sin(w * pos * div)
    pe[:, 1::2] = np.cos(w * pos * div)
    return jnp.asarray(pe)

def setup_inputs(seed: int = 0) -> dict:
    key = jax.random.key(seed)
    x = jax.random.randint(key, (4096, 200, 1), 0, MAX_LEN, dtype=jnp.int64) if jax.config.jax_enable_x64 else jax.random.randint(key, (4096, 200, 1), 0, MAX_LEN, dtype=jnp.int32)
    pe = positional_encoding(CHANNELS, MAX_LEN, W)
    return {"x": x, "pe": pe}

def reference(x, pe):
    idx = jnp.squeeze(x.astype(jnp.int32), axis=-1)
    return jnp.take(pe, idx, axis=0)

if __name__ == "__main__":
    import jax
    _d = setup_inputs()
    print(jax.jit(kernel)(*tuple(_d.values())))

</pallas_src>

<mosaic_0001>
#map = affine_map<(d0, d1) -> (0, 0)>
#map1 = affine_map<(d0, d1) -> (0, 0, 0)>
module attributes {stable_mosaic.version = 14 : i64} {
  func.func @_lookup(%arg0: i32, %arg1: i32, %arg2: memref<8192x100xi32, #tpu.memory_space<hbm>>, %arg3: memref<2048x64xf32, #tpu.memory_space<hbm>>, %arg4: memref<4096x200x128xf32, #tpu.memory_space<hbm>>, %arg5: memref<256x100xi32, #tpu.memory_space<vmem>>, %arg6: memref<8x100x64xf32, #tpu.memory_space<vmem>>, %arg7: memref<2048x64xf32, #tpu.memory_space<vmem_shared>>, %arg8: memref<8x!tpu.dma_semaphore, #tpu.memory_space<semaphore_mem>>, %arg9: memref<8x!tpu.dma_semaphore, #tpu.memory_space<semaphore_mem>>) attributes {dimension_semantics = [#tpu.dimension_semantics<core_parallel>, #tpu.dimension_semantics<subcore_parallel>], iteration_bounds = array<i64: 2, 16>, scalar_prefetch = 0 : i64, scratch_operands = 5 : i64, tpu.core_type = #tpu.core_type<sc_vector_subcore>, window_params = [{transform_indices = #map}, {transform_indices = #map}, {transform_indices = #map1}]} {
    %mul3A = arith.constant 2 : i32
    %mul3A_0 = arith.muli %arg1, %mul3A : i32
    %add3A = arith.addi %mul3A_0, %arg0 : i32
    %mul3A_1 = arith.constant 256 : i32
    %mul3A_2 = arith.muli %add3A, %mul3A_1 : i32
    %eq3A = arith.constant 0 : i32
    %eq3A_3 = arith.cmpi eq, %arg1, %eq3A : i32
    %convert_element_type3A = arith.extui %eq3A_3 : i1 to i32
    %cond3A = arith.constant 0 : i32
    %cond3A_4 = arith.cmpi ne, %convert_element_type3A, %cond3A : i32
    scf.if %cond3A_4 {
      "tpu.region"() ({
        %run_scoped3A = tpu.sem_alloc : memref<!tpu.dma_semaphore, #tpu.memory_space<semaphore_mem>>
        tpu.enqueue_dma source(%arg3 : memref<2048x64xf32, #tpu.memory_space<hbm>>) target(%arg7 : memref<2048x64xf32, #tpu.memory_space<vmem_shared>>) target_semaphore(%run_scoped3A : memref<!tpu.dma_semaphore, #tpu.memory_space<semaphore_mem>>)
        tpu.wait_dma2 semaphore(%run_scoped3A : memref<!tpu.dma_semaphore, #tpu.memory_space<semaphore_mem>>) src(%arg3 : memref<2048x64xf32, #tpu.memory_space<hbm>>) dst(%arg7 : memref<2048x64xf32, #tpu.memory_space<vmem_shared>>)
        tpu.yield
      }) : () -> ()
    } else {
    }
    "tpu.region"() ({
      %run_scoped3A = tpu.sem_alloc : memref<!tpu.dma_semaphore, #tpu.memory_space<semaphore_mem>>
      %dma_start3A_128 = arith.constant 0 : i32
      %dma_start3A_129 = tpu.memref_slice %arg2[%mul3A_2, %dma_start3A_128] : memref<8192x100xi32, #tpu.memory_space<hbm>> -> memref<256x100xi32, #tpu.memory_space<hbm>>
      %dma_start3A_130 = arith.constant 0 : i32
      %dma_start3A_131 = tpu.memref_slice %arg2[%mul3A_2, %dma_start3A_130] : memref<8192x100xi32, #tpu.memory_space<hbm>> -> memref<256x100xi32, #tpu.memory_space<hbm>>
      tpu.enqueue_dma source(%dma_start3A_131 : memref<256x100xi32, #tpu.memory_space<hbm>>) target(%arg5 : memref<256x100xi32, #tpu.memory_space<vmem>>) target_semaphore(%run_scoped3A : memref<!tpu.dma_semaphore, #tpu.memory_space<semaphore_mem>>)
      %dma_wait3A = arith.constant 0 : i32
      %dma_wait3A_132 = tpu.memref_slice %arg2[%mul3A_2, %dma_wait3A] : memref<8192x100xi32, #tpu.memory_space<hbm>> -> memref<256x100xi32, #tpu.memory_space<hbm>>
      %dma_wait3A_133 = arith.constant 0 : i32
      %dma_wait3A_134 = tpu.memref_slice %arg2[%mul3A_2, %dma_wait3A_133] : memref<8192x100xi32, #tpu.memory_space<hbm>> -> memref<256x100xi32, #tpu.memory_space<hbm>>
      tpu.wait_dma2 semaphore(%run_scoped3A : memref<!tpu.dma_semaphore, #tpu.memory_space<semaphore_mem>>) src(%dma_wait3A_134 : memref<256x100xi32, #tpu.memory_space<hbm>>) dst(%arg5 : memref<256x100xi32, #tpu.memory_space<vmem>>)
      tpu.yield
    }) : () -> ()
    %barrier3A = arith.constant 0 : index
    tpu.barrier barrier_id(%barrier3A)
    %dma_start3A = arith.constant 0 : i32
    %dma_start3A_5 = arith.constant 0 : i32
    %dma_start3A_6 = arith.constant 0 : i32
    %dma_start3A_7 = arith.constant 0 : i32
    %dma_start3A_8 = arith.constant 0 : i32
    %dma_start3A_9 = tpu.memref_slice %arg6[%dma_start3A_5, %dma_start3A_7, %dma_start3A_8] : memref<8x100x64xf32, #tpu.memory_space<vmem>> -> memref<1x100x64xf32, #tpu.memory_space<vmem>>
    %dma_start3A_10 = tpu.memref_squeeze %dma_start3A_9 : memref<1x100x64xf32, #tpu.memory_space<vmem>> -> memref<100x64xf32, #tpu.memory_space<vmem>>
    %dma_start3A_11 = arith.constant 0 : i32
    %dma_start3A_12 = tpu.memref_slice %arg5[%dma_start3A, %dma_start3A_11] : memref<256x100xi32, #tpu.memory_space<vmem>> -> memref<1x100xi32, #tpu.memory_space<vmem>>
    %dma_start3A_13 = tpu.memref_squeeze %dma_start3A_12 : memref<1x100xi32, #tpu.memory_space<vmem>> -> memref<100xi32, #tpu.memory_space<vmem>>
    %dma_start3A_14 = arith.constant 0 : i32
    %dma_start3A_15 = arith.constant 0 : i32
    %dma_start3A_16 = tpu.memref_slice %arg7[%dma_start3A_14, %dma_start3A_15] : memref<2048x64xf32, #tpu.memory_space<vmem_shared>> -> memref<2048x64xf32, #tpu.memory_space<vmem_shared>>
    %dma_start3A_17 = tpu.memref_slice %arg8[%dma_start3A_6] : memref<8x!tpu.dma_semaphore, #tpu.memory_space<semaphore_mem>> -> memref<1x!tpu.dma_semaphore, #tpu.memory_space<semaphore_mem>>
    %dma_start3A_18 = tpu.memref_squeeze %dma_start3A_17 : memref<1x!tpu.dma_semaphore, #tpu.memory_space<semaphore_mem>> -> memref<!tpu.dma_semaphore, #tpu.memory_space<semaphore_mem>>
    tpu.enqueue_indirect_dma source(%dma_start3A_16 : memref<2048x64xf32, #tpu.memory_space<vmem_shared>>) target(%dma_start3A_10 : memref<100x64xf32, #tpu.memory_space<vmem>>) offsets(%dma_start3A_13 : memref<100xi32, #tpu.memory_space<vmem>>) semaphore(%dma_start3A_18 : memref<!tpu.dma_semaphore, #tpu.memory_space<semaphore_mem>>)
    %dma_start3A_19 = arith.constant 1 : i32
    %dma_start3A_20 = arith.constant 1 : i32
    %dma_start3A_21 = arith.constant 1 : i32
    %dma_start3A_22 = arith.constant 0 : i32
    %dma_start3A_23 = arith.constant 0 : i32
    %dma_start3A_24 = tpu.memref_slice %arg6[%dma_start3A_20, %dma_start3A_22, %dma_start3A_23] : memref<8x100x64xf32, #tpu.memory_space<vmem>> -> memref<1x100x64xf32, #tpu.memory_space<vmem>>
    %dma_start3A_25 = tpu.memref_squeeze %dma_start3A_24 : memref<1x100x64xf32, #tpu.memory_space<vmem>> -> memref<100x64xf32, #tpu.memory_space<vmem>>
    %dma_start3A_26 = arith.constant 0 : i32
    %dma_start3A_27 = tpu.memref_slice %arg5[%dma_start3A_19, %dma_start3A_26] : memref<256x100xi32, #tpu.memory_space<vmem>> -> memref<1x100xi32, #tpu.memory_space<vmem>>
    %dma_start3A_28 = tpu.memref_squeeze %dma_start3A_27 : memref<1x100xi32, #tpu.memory_space<vmem>> -> memref<100xi32, #tpu.memory_space<vmem>>
    %dma_start3A_29 = arith.constant 0 : i32
    %dma_start3A_30 = arith.constant 0 : i32
    %dma_start3A_31 = tpu.memref_slice %arg7[%dma_start3A_29, %dma_start3A_30] : memref<2048x64xf32, #tpu.memory_space<vmem_shared>> -> memref<2048x64xf32, #tpu.memory_space<vmem_shared>>
    %dma_start3A_32 = tpu.memref_slice %arg8[%dma_start3A_21] : memref<8x!tpu.dma_semaphore, #tpu.memory_space<semaphore_mem>> -> memref<1x!tpu.dma_semaphore, #tpu.memory_space<semaphore_mem>>
    %dma_start3A_33 = tpu.memref_squeeze %dma_start3A_32 : memref<1x!tpu.dma_semaphore, #tpu.memory_space<semaphore_mem>> -> memref<!tpu.dma_semaphore, #tpu.memory_space<semaphore_mem>>
    tpu.enqueue_indirect_dma source(%dma_start3A_31 : memref<2048x64xf32, #tpu.memory_space<vmem_shared>>) target(%dma_start3A_25 : memref<100x64xf32, #tpu.memory_space<vmem>>) offsets(%dma_start3A_28 : memref<100xi32, #tpu.memory_space<vmem>>) semaphore(%dma_start3A_33 : memref<!tpu.dma_semaphore, #tpu.memory_space<semaphore_mem>>)
    %dma_start3A_34 = arith.constant 2 : i32
    %dma_start3A_35 = arith.constant 2 : i32
    %dma_start3A_36 = arith.constant 2 : i32
    %dma_start3A_37 = arith.constant 0 : i32
    %dma_start3A_38 = arith.constant 0 : i32
    %dma_start3A_39 = tpu.memref_slice %arg6[%dma_start3A_35, %dma_start3A_37, %dma_start3A_38] : memref<8x100x64xf32, #tpu.memory_space<vmem>> -> memref<1x100x64xf32, #tpu.memory_space<vmem>>
    %dma_start3A_40 = tpu.memref_squeeze %dma_start3A_39 : memref<1x100x64xf32, #tpu.memory_space<vmem>> -> memref<100x64xf32, #tpu.memory_space<vmem>>
    %dma_start3A_41 = arith.constant 0 : i32
    %dma_start3A_42 = tpu.memref_slice %arg5[%dma_start3A_34, %dma_start3A_41] : memref<256x100xi32, #tpu.memory_space<vmem>> -> memref<1x100xi32, #tpu.memory_space<vmem>>
    %dma_start3A_43 = tpu.memref_squeeze %dma_start3A_42 : memref<1x100xi32, #tpu.memory_space<vmem>> -> memref<100xi32, #tpu.memory_space<vmem>>
    %dma_start3A_44 = arith.constant 0 : i32
    %dma_start3A_45 = arith.constant 0 : i32
    %dma_start3A_46 = tpu.memref_slice %arg7[%dma_start3A_44, %dma_start3A_45] : memref<2048x64xf32, #tpu.memory_space<vmem_shared>> -> memref<2048x64xf32, #tpu.memory_space<vmem_shared>>
    %dma_start3A_47 = tpu.memref_slice %arg8[%dma_start3A_36] : memref<8x!tpu.dma_semaphore, #tpu.memory_space<semaphore_mem>> -> memref<1x!tpu.dma_semaphore, #tpu.memory_space<semaphore_mem>>
    %dma_start3A_48 = tpu.memref_squeeze %dma_start3A_47 : memref<1x!tpu.dma_semaphore, #tpu.memory_space<semaphore_mem>> -> memref<!tpu.dma_semaphore, #tpu.memory_space<semaphore_mem>>
    tpu.enqueue_indirect_dma source(%dma_start3A_46 : memref<2048x64xf32, #tpu.memory_space<vmem_shared>>) target(%dma_start3A_40 : memref<100x64xf32, #tpu.memory_space<vmem>>) offsets(%dma_start3A_43 : memref<100xi32, #tpu.memory_space<vmem>>) semaphore(%dma_start3A_48 : memref<!tpu.dma_semaphore, #tpu.memory_space<semaphore_mem>>)
    %dma_start3A_49 = arith.constant 3 : i32
    %dma_start3A_50 = arith.constant 3 : i32
    %dma_start3A_51 = arith.constant 3 : i32
    %dma_start3A_52 = arith.constant 0 : i32
    %dma_start3A_53 = arith.constant 0 : i32
    %dma_start3A_54 = tpu.memref_slice %arg6[%dma_start3A_50, %dma_start3A_52, %dma_start3A_53] : memref<8x100x64xf32, #tpu.memory_space<vmem>> -> memref<1x100x64xf32, #tpu.memory_space<vmem>>
    %dma_start3A_55 = tpu.memref_squeeze %dma_start3A_54 : memref<1x100x64xf32, #tpu.memory_space<vmem>> -> memref<100x64xf32, #tpu.memory_space<vmem>>
    %dma_start3A_56 = arith.constant 0 : i32
    %dma_start3A_57 = tpu.memref_slice %arg5[%dma_start3A_49, %dma_start3A_56] : memref<256x100xi32, #tpu.memory_space<vmem>> -> memref<1x100xi32, #tpu.memory_space<vmem>>
    %dma_start3A_58 = tpu.memref_squeeze %dma_start3A_57 : memref<1x100xi32, #tpu.memory_space<vmem>> -> memref<100xi32, #tpu.memory_space<vmem>>
    %dma_start3A_59 = arith.constant 0 : i32
    %dma_start3A_60 = arith.constant 0 : i32
    %dma_start3A_61 = tpu.memref_slice %arg7[%dma_start3A_59, %dma_start3A_60] : memref<2048x64xf32, #tpu.memory_space<vmem_shared>> -> memref<2048x64xf32, #tpu.memory_space<vmem_shared>>
    %dma_start3A_62 = tpu.memref_slice %arg8[%dma_start3A_51] : memref<8x!tpu.dma_semaphore, #tpu.memory_space<semaphore_mem>> -> memref<1x!tpu.dma_semaphore, #tpu.memory_space<semaphore_mem>>
    %dma_start3A_63 = tpu.memref_squeeze %dma_start3A_62 : memref<1x!tpu.dma_semaphore, #tpu.memory_space<semaphore_mem>> -> memref<!tpu.dma_semaphore, #tpu.memory_space<semaphore_mem>>
    tpu.enqueue_indirect_dma source(%dma_start3A_61 : memref<2048x64xf32, #tpu.memory_space<vmem_shared>>) target(%dma_start3A_55 : memref<100x64xf32, #tpu.memory_space<vmem>>) offsets(%dma_start3A_58 : memref<100xi32, #tpu.memory_space<vmem>>) semaphore(%dma_start3A_63 : memref<!tpu.dma_semaphore, #tpu.memory_space<semaphore_mem>>)
    %dma_start3A_64 = arith.constant 4 : i32
    %dma_start3A_65 = arith.constant 4 : i32
    %dma_start3A_66 = arith.constant 4 : i32
    %dma_start3A_67 = arith.constant 0 : i32
    %dma_start3A_68 = arith.constant 0 : i32
    %dma_start3A_69 = tpu.memref_slice %arg6[%dma_start3A_65, %dma_start3A_67, %dma_start3A_68] : memref<8x100x64xf32, #tpu.memory_space<vmem>> -> memref<1x100x64xf32, #tpu.memory_space<vmem>>
    %dma_start3A_70 = tpu.memref_squeeze %dma_start3A_69 : memref<1x100x64xf32, #tpu.memory_space<vmem>> -> memref<100x64xf32, #tpu.memory_space<vmem>>
    %dma_start3A_71 = arith.constant 0 : i32
    %dma_start3A_72 = tpu.memref_slice %arg5[%dma_start3A_64, %dma_start3A_71] : memref<256x100xi32, #tpu.memory_space<vmem>> -> memref<1x100xi32, #tpu.memory_space<vmem>>
    %dma_start3A_73 = tpu.memref_squeeze %dma_start3A_72 : memref<1x100xi32, #tpu.memory_space<vmem>> -> memref<100xi32, #tpu.memory_space<vmem>>
    %dma_start3A_74 = arith.constant 0 : i32
    %dma_start3A_75 = arith.constant 0 : i32
    %dma_start3A_76 = tpu.memref_slice %arg7[%dma_start3A_74, %dma_start3A_75] : memref<2048x64xf32, #tpu.memory_space<vmem_shared>> -> memref<2048x64xf32, #tpu.memory_space<vmem_shared>>
    %dma_start3A_77 = tpu.memref_slice %arg8[%dma_start3A_66] : memref<8x!tpu.dma_semaphore, #tpu.memory_space<semaphore_mem>> -> memref<1x!tpu.dma_semaphore, #tpu.memory_space<semaphore_mem>>
    %dma_start3A_78 = tpu.memref_squeeze %dma_start3A_77 : memref<1x!tpu.dma_semaphore, #tpu.memory_space<semaphore_mem>> -> memref<!tpu.dma_semaphore, #tpu.memory_space<semaphore_mem>>
    tpu.enqueue_indirect_dma source(%dma_start3A_76 : memref<2048x64xf32, #tpu.memory_space<vmem_shared>>) target(%dma_start3A_70 : memref<100x64xf32, #tpu.memory_space<vmem>>) offsets(%dma_start3A_73 : memref<100xi32, #tpu.memory_space<vmem>>) semaphore(%dma_start3A_78 : memref<!tpu.dma_semaphore, #tpu.memory_space<semaphore_mem>>)
    %dma_start3A_79 = arith.constant 5 : i32
    %dma_start3A_80 = arith.constant 5 : i32
    %dma_start3A_81 = arith.constant 5 : i32
    %dma_start3A_82 = arith.constant 0 : i32
    %dma_start3A_83 = arith.constant 0 : i32
    %dma_start3A_84 = tpu.memref_slice %arg6[%dma_start3A_80, %dma_start3A_82, %dma_start3A_83] : memref<8x100x64xf32, #tpu.memory_space<vmem>> -> memref<1x100x64xf32, #tpu.memory_space<vmem>>
    %dma_start3A_85 = tpu.memref_squeeze %dma_start3A_84 : memref<1x100x64xf32, #tpu.memory_space<vmem>> -> memref<100x64xf32, #tpu.memory_space<vmem>>
    %dma_start3A_86 = arith.constant 0 : i32
    %dma_start3A_87 = tpu.memref_slice %arg5[%dma_start3A_79, %dma_start3A_86] : memref<256x100xi32, #tpu.memory_space<vmem>> -> memref<1x100xi32, #tpu.memory_space<vmem>>
    %dma_start3A_88 = tpu.memref_squeeze %dma_start3A_87 : memref<1x100xi32, #tpu.memory_space<vmem>> -> memref<100xi32, #tpu.memory_space<vmem>>
    %dma_start3A_89 = arith.constant 0 : i32
    %dma_start3A_90 = arith.constant 0 : i32
    %dma_start3A_91 = tpu.memref_slice %arg7[%dma_start3A_89, %dma_start3A_90] : memref<2048x64xf32, #tpu.memory_space<vmem_shared>> -> memref<2048x64xf32, #tpu.memory_space<vmem_shared>>
    %dma_start3A_92 = tpu.memref_slice %arg8[%dma_start3A_81] : memref<8x!tpu.dma_semaphore, #tpu.memory_space<semaphore_mem>> -> memref<1x!tpu.dma_semaphore, #tpu.memory_space<semaphore_mem>>
    %dma_start3A_93 = tpu.memref_squeeze %dma_start3A_92 : memref<1x!tpu.dma_semaphore, #tpu.memory_space<semaphore_mem>> -> memref<!tpu.dma_semaphore, #tpu.memory_space<semaphore_mem>>
    tpu.enqueue_indirect_dma source(%dma_start3A_91 : memref<2048x64xf32, #tpu.memory_space<vmem_shared>>) target(%dma_start3A_85 : memref<100x64xf32, #tpu.memory_space<vmem>>) offsets(%dma_start3A_88 : memref<100xi32, #tpu.memory_space<vmem>>) semaphore(%dma_start3A_93 : memref<!tpu.dma_semaphore, #tpu.memory_space<semaphore_mem>>)
    %dma_start3A_94 = arith.constant 6 : i32
    %dma_start3A_95 = arith.constant 6 : i32
    %dma_start3A_96 = arith.constant 6 : i32
    %dma_start3A_97 = arith.constant 0 : i32
    %dma_start3A_98 = arith.constant 0 : i32
    %dma_start3A_99 = tpu.memref_slice %arg6[%dma_start3A_95, %dma_start3A_97, %dma_start3A_98] : memref<8x100x64xf32, #tpu.memory_space<vmem>> -> memref<1x100x64xf32, #tpu.memory_space<vmem>>
    %dma_start3A_100 = tpu.memref_squeeze %dma_start3A_99 : memref<1x100x64xf32, #tpu.memory_space<vmem>> -> memref<100x64xf32, #tpu.memory_space<vmem>>
    %dma_start3A_101 = arith.constant 0 : i32
    %dma_start3A_102 = tpu.memref_slice %arg5[%dma_start3A_94, %dma_start3A_101] : memref<256x100xi32, #tpu.memory_space<vmem>> -> memref<1x100xi32, #tpu.memory_space<vmem>>
    %dma_start3A_103 = tpu.memref_squeeze %dma_start3A_102 : memref<1x100xi32, #tpu.memory_space<vmem>> -> memref<100xi32, #tpu.memory_space<vmem>>
    %dma_start3A_104 = arith.constant 0 : i32
    %dma_start3A_105 = arith.constant 0 : i32
    %dma_start3A_106 = tpu.memref_slice %arg7[%dma_start3A_104, %dma_start3A_105] : memref<2048x64xf32, #tpu.memory_space<vmem_shared>> -> memref<2048x64xf32, #tpu.memory_space<vmem_shared>>
    %dma_start3A_107 = tpu.memref_slice %arg8[%dma_start3A_96] : memref<8x!tpu.dma_semaphore, #tpu.memory_space<semaphore_mem>> -> memref<1x!tpu.dma_semaphore, #tpu.memory_space<semaphore_mem>>
    %dma_start3A_108 = tpu.memref_squeeze %dma_start3A_107 : memref<1x!tpu.dma_semaphore, #tpu.memory_space<semaphore_mem>> -> memref<!tpu.dma_semaphore, #tpu.memory_space<semaphore_mem>>
    tpu.enqueue_indirect_dma source(%dma_start3A_106 : memref<2048x64xf32, #tpu.memory_space<vmem_shared>>) target(%dma_start3A_100 : memref<100x64xf32, #tpu.memory_space<vmem>>) offsets(%dma_start3A_103 : memref<100xi32, #tpu.memory_space<vmem>>) semaphore(%dma_start3A_108 : memref<!tpu.dma_semaphore, #tpu.memory_space<semaphore_mem>>)
    %dma_start3A_109 = arith.constant 7 : i32
    %dma_start3A_110 = arith.constant 7 : i32
    %dma_start3A_111 = arith.constant 7 : i32
    %dma_start3A_112 = arith.constant 0 : i32
    %dma_start3A_113 = arith.constant 0 : i32
    %dma_start3A_114 = tpu.memref_slice %arg6[%dma_start3A_110, %dma_start3A_112, %dma_start3A_113] : memref<8x100x64xf32, #tpu.memory_space<vmem>> -> memref<1x100x64xf32, #tpu.memory_space<vmem>>
    %dma_start3A_115 = tpu.memref_squeeze %dma_start3A_114 : memref<1x100x64xf32, #tpu.memory_space<vmem>> -> memref<100x64xf32, #tpu.memory_space<vmem>>
    %dma_start3A_116 = arith.constant 0 : i32
    %dma_start3A_117 = tpu.memref_slice %arg5[%dma_start3A_109, %dma_start3A_116] : memref<256x100xi32, #tpu.memory_space<vmem>> -> memref<1x100xi32, #tpu.memory_space<vmem>>
    %dma_start3A_118 = tpu.memref_squeeze %dma_start3A_117 : memref<1x100xi32, #tpu.memory_space<vmem>> -> memref<100xi32, #tpu.memory_space<vmem>>
    %dma_start3A_119 = arith.constant 0 : i32
    %dma_start3A_120 = arith.constant 0 : i32
    %dma_start3A_121 = tpu.memref_slice %arg7[%dma_start3A_119, %dma_start3A_120] : memref<2048x64xf32, #tpu.memory_space<vmem_shared>> -> memref<2048x64xf32, #tpu.memory_space<vmem_shared>>
    %dma_start3A_122 = tpu.memref_slice %arg8[%dma_start3A_111] : memref<8x!tpu.dma_semaphore, #tpu.memory_space<semaphore_mem>> -> memref<1x!tpu.dma_semaphore, #tpu.memory_space<semaphore_mem>>
    %dma_start3A_123 = tpu.memref_squeeze %dma_start3A_122 : memref<1x!tpu.dma_semaphore, #tpu.memory_space<semaphore_mem>> -> memref<!tpu.dma_semaphore, #tpu.memory_space<semaphore_mem>>
    tpu.enqueue_indirect_dma source(%dma_start3A_121 : memref<2048x64xf32, #tpu.memory_space<vmem_shared>>) target(%dma_start3A_115 : memref<100x64xf32, #tpu.memory_space<vmem>>) offsets(%dma_start3A_118 : memref<100xi32, #tpu.memory_space<vmem>>) semaphore(%dma_start3A_123 : memref<!tpu.dma_semaphore, #tpu.memory_space<semaphore_mem>>)
    %scan3A = arith.constant 0 : i32
    %scan3A_124 = arith.constant 32 : i32
    %scan3A_125 = arith.addi %scan3A, %scan3A_124 : i32
    %scan3A_126 = arith.constant 1 : i32
    scf.for %scan3A_128 = %scan3A to %scan3A_125 step %scan3A_126  : i32 {
      %mul3A_129 = arith.constant 8 : i32
      %mul3A_130 = arith.muli %scan3A_128, %mul3A_129 : i32
      %add3A_131 = arith.constant 0 : i32
      %add3A_132 = arith.addi %mul3A_130, %add3A_131 : i32
      %dma_wait3A = arith.constant 0 : i32
      %dma_wait3A_133 = arith.constant 0 : i32
      %dma_wait3A_134 = arith.constant 0 : i32
      %dma_wait3A_135 = arith.constant 0 : i32
      %dma_wait3A_136 = tpu.memref_slice %arg6[%dma_wait3A, %dma_wait3A_134, %dma_wait3A_135] : memref<8x100x64xf32, #tpu.memory_space<vmem>> -> memref<1x100x64xf32, #tpu.memory_space<vmem>>
      %dma_wait3A_137 = tpu.memref_squeeze %dma_wait3A_136 : memref<1x100x64xf32, #tpu.memory_space<vmem>> -> memref<100x64xf32, #tpu.memory_space<vmem>>
      %dma_wait3A_138 = arith.constant 0 : i32
      %dma_wait3A_139 = tpu.memref_slice %arg5[%add3A_132, %dma_wait3A_138] : memref<256x100xi32, #tpu.memory_space<vmem>> -> memref<1x100xi32, #tpu.memory_space<vmem>>
      %dma_wait3A_140 = tpu.memref_squeeze %dma_wait3A_139 : memref<1x100xi32, #tpu.memory_space<vmem>> -> memref<100xi32, #tpu.memory_space<vmem>>
      %dma_wait3A_141 = arith.constant 0 : i32
      %dma_wait3A_142 = arith.constant 0 : i32
      %dma_wait3A_143 = tpu.memref_slice %arg7[%dma_wait3A_141, %dma_wait3A_142] : memref<2048x64xf32, #tpu.memory_space<vmem_shared>> -> memref<2048x64xf32, #tpu.memory_space<vmem_shared>>
      %dma_wait3A_144 = tpu.memref_slice %arg8[%dma_wait3A_133] : memref<8x!tpu.dma_semaphore, #tpu.memory_space<semaphore_mem>> -> memref<1x!tpu.dma_semaphore, #tpu.memory_space<semaphore_mem>>
      %dma_wait3A_145 = tpu.memref_squeeze %dma_wait3A_144 : memref<1x!tpu.dma_semaphore, #tpu.memory_space<semaphore_mem>> -> memref<!tpu.dma_semaphore, #tpu.memory_space<semaphore_mem>>
      tpu.wait_indirect_dma semaphore(%dma_wait3A_145 : memref<!tpu.dma_semaphore, #tpu.memory_space<semaphore_mem>>) src(%dma_wait3A_143 : memref<2048x64xf32, #tpu.memory_space<vmem_shared>>) dst(%dma_wait3A_137 : memref<100x64xf32, #tpu.memory_space<vmem>>)
      %add3A_146 = arith.addi %mul3A_2, %add3A_132 : i32
      %jit3A = arith.constant 2 : i32
      %div3A = arith.divsi %add3A_146, %jit3A : i32
      %sign3A = arith.constant 0 : i32
      %sign3A_147 = arith.cmpi sgt, %add3A_146, %sign3A : i32
      %sign3A_148 = arith.extui %sign3A_147 : i1 to i32
      %sign3A_149 = arith.constant 0 : i32
      %sign3A_150 = arith.cmpi slt, %add3A_146, %sign3A_149 : i32
      %sign3A_151 = arith.extui %sign3A_150 : i1 to i32
      %sign3A_152 = arith.subi %sign3A_148, %sign3A_151 : i32
      %sign3A_153 = arith.constant 0 : i32
      %sign3A_154 = arith.cmpi sgt, %jit3A, %sign3A_153 : i32
      %sign3A_155 = arith.extui %sign3A_154 : i1 to i32
      %sign3A_156 = arith.constant 0 : i32
      %sign3A_157 = arith.cmpi slt, %jit3A, %sign3A_156 : i32
      %sign3A_158 = arith.extui %sign3A_157 : i1 to i32
      %sign3A_159 = arith.subi %sign3A_155, %sign3A_158 : i32
      %ne3A = arith.cmpi ne, %sign3A_152, %sign3A_159 : i32
      %rem3A = arith.remsi %add3A_146, %jit3A : i32
      %ne3A_160 = arith.constant 0 : i32
      %ne3A_161 = arith.cmpi ne, %rem3A, %ne3A_160 : i32
      %and3A = arith.andi %ne3A, %ne3A_161 : i1
      %sub3A = arith.constant 1 : i32
      %sub3A_162 = arith.subi %div3A, %sub3A : i32
      %select_n3A = arith.select %and3A, %sub3A_162, %div3A : i32
      %jit3A_163 = arith.constant 2 : i32
      %eq3A_164 = arith.constant 0 : i32
      %eq3A_165 = arith.cmpi eq, %jit3A_163, %eq3A_164 : i32
      %jit3A_166 = arith.constant 1 : i32
      %select_n3A_167 = arith.select %eq3A_165, %jit3A_166, %jit3A_163 : i32
      %rem3A_168 = arith.remsi %add3A_146, %select_n3A_167 : i32
      %ne3A_169 = arith.constant 0 : i32
      %ne3A_170 = arith.cmpi ne, %rem3A_168, %ne3A_169 : i32
      %lt3A = arith.constant 0 : i32
      %lt3A_171 = arith.cmpi slt, %rem3A_168, %lt3A : i32
      %lt3A_172 = arith.constant 0 : i32
      %lt3A_173 = arith.cmpi slt, %select_n3A_167, %lt3A_172 : i32
      %ne3A_174 = arith.xori %lt3A_171, %lt3A_173 : i1
      %and3A_175 = arith.andi %ne3A_174, %ne3A_170 : i1
      %add3A_176 = arith.addi %rem3A_168, %select_n3A_167 : i32
      %select_n3A_177 = arith.select %and3A_175, %add3A_176, %rem3A_168 : i32
      %mul3A_178 = arith.constant 100 : i32
      %mul3A_179 = arith.muli %select_n3A_177, %mul3A_178 : i32
      %dma_start3A_180 = arith.constant 0 : i32
      %dma_start3A_181 = arith.constant 0 : i32
      %dma_start3A_182 = arith.constant 0 : i32
      %dma_start3A_183 = arith.constant 0 : i32
      %dma_start3A_184 = tpu.memref_slice %arg6[%dma_start3A_180, %dma_start3A_182, %dma_start3A_183] : memref<8x100x64xf32, #tpu.memory_space<vmem>> -> memref<1x100x64xf32, #tpu.memory_space<vmem>>
      %dma_start3A_185 = tpu.memref_squeeze %dma_start3A_184 : memref<1x100x64xf32, #tpu.memory_space<vmem>> -> memref<100x64xf32, #tpu.memory_space<vmem>>
      %dma_start3A_186 = arith.constant 0 : i32
      %dma_start3A_187 = tpu.memref_slice %arg4[%select_n3A, %mul3A_179, %dma_start3A_186] : memref<4096x200x128xf32, #tpu.memory_space<hbm>> -> memref<1x100x64xf32, #tpu.memory_space<hbm>>
      %dma_start3A_188 = tpu.memref_squeeze %dma_start3A_187 : memref<1x100x64xf32, #tpu.memory_space<hbm>> -> memref<100x64xf32, #tpu.memory_space<hbm>>
      %dma_start3A_189 = tpu.memref_slice %arg9[%dma_start3A_181] : memref<8x!tpu.dma_semaphore, #tpu.memory_space<semaphore_mem>> -> memref<1x!tpu.dma_semaphore, #tpu.memory_space<semaphore_mem>>
      %dma_start3A_190 = tpu.memref_squeeze %dma_start3A_189 : memref<1x!tpu.dma_semaphore, #tpu.memory_space<semaphore_mem>> -> memref<!tpu.dma_semaphore, #tpu.memory_space<semaphore_mem>>
      %dma_start3A_191 = arith.constant 0 : i32
      %dma_start3A_192 = tpu.memref_slice %arg4[%select_n3A, %mul3A_179, %dma_start3A_191] : memref<4096x200x128xf32, #tpu.memory_space<hbm>> -> memref<1x100x64xf32, #tpu.memory_space<hbm>>
      %dma_start3A_193 = tpu.memref_squeeze %dma_start3A_192 : memref<1x100x64xf32, #tpu.memory_space<hbm>> -> memref<100x64xf32, #tpu.memory_space<hbm>>
      %dma_start3A_194 = arith.constant 0 : i32
      %dma_start3A_195 = arith.constant 0 : i32
      %dma_start3A_196 = tpu.memref_slice %arg6[%dma_start3A_180, %dma_start3A_194, %dma_start3A_195] : memref<8x100x64xf32, #tpu.memory_space<vmem>> -> memref<1x100x64xf32, #tpu.memory_space<vmem>>
      %dma_start3A_197 = tpu.memref_squeeze %dma_start3A_196 : memref<1x100x64xf32, #tpu.memory_space<vmem>> -> memref<100x64xf32, #tpu.memory_space<vmem>>
      tpu.enqueue_dma source(%dma_start3A_197 : memref<100x64xf32, #tpu.memory_space<vmem>>) target(%dma_start3A_193 : memref<100x64xf32, #tpu.memory_space<hbm>>) target_semaphore(%dma_start3A_190 : memref<!tpu.dma_semaphore, #tpu.memory_space<semaphore_mem>>)
      %dma_wait3A_198 = arith.constant 0 : i32
      %dma_wait3A_199 = arith.constant 0 : i32
      %dma_wait3A_200 = arith.constant 0 : i32
      %dma_wait3A_201 = arith.constant 0 : i32
      %dma_wait3A_202 = tpu.memref_slice %arg6[%dma_wait3A_198, %dma_wait3A_200, %dma_wait3A_201] : memref<8x100x64xf32, #tpu.memory_space<vmem>> -> memref<1x100x64xf32, #tpu.memory_space<vmem>>
      %dma_wait3A_203 = tpu.memref_squeeze %dma_wait3A_202 : memref<1x100x64xf32, #tpu.memory_space<vmem>> -> memref<100x64xf32, #tpu.memory_space<vmem>>
      %dma_wait3A_204 = arith.constant 0 : i32
      %dma_wait3A_205 = tpu.memref_slice %arg4[%select_n3A, %mul3A_179, %dma_wait3A_204] : memref<4096x200x128xf32, #tpu.memory_space<hbm>> -> memref<1x100x64xf32, #tpu.memory_space<hbm>>
      %dma_wait3A_206 = tpu.memref_squeeze %dma_wait3A_205 : memref<1x100x64xf32, #tpu.memory_space<hbm>> -> memref<100x64xf32, #tpu.memory_space<hbm>>
      %dma_wait3A_207 = tpu.memref_slice %arg9[%dma_wait3A_199] : memref<8x!tpu.dma_semaphore, #tpu.memory_space<semaphore_mem>> -> memref<1x!tpu.dma_semaphore, #tpu.memory_space<semaphore_mem>>
      %dma_wait3A_208 = tpu.memref_squeeze %dma_wait3A_207 : memref<1x!tpu.dma_semaphore, #tpu.memory_space<semaphore_mem>> -> memref<!tpu.dma_semaphore, #tpu.memory_space<semaphore_mem>>
      %dma_wait3A_209 = arith.constant 0 : i32
      %dma_wait3A_210 = tpu.memref_slice %arg4[%select_n3A, %mul3A_179, %dma_wait3A_209] : memref<4096x200x128xf32, #tpu.memory_space<hbm>> -> memref<1x100x64xf32, #tpu.memory_space<hbm>>
      %dma_wait3A_211 = tpu.memref_squeeze %dma_wait3A_210 : memref<1x100x64xf32, #tpu.memory_space<hbm>> -> memref<100x64xf32, #tpu.memory_space<hbm>>
      %dma_wait3A_212 = arith.constant 0 : i32
      %dma_wait3A_213 = arith.constant 0 : i32
      %dma_wait3A_214 = tpu.memref_slice %arg6[%dma_wait3A_198, %dma_wait3A_212, %dma_wait3A_213] : memref<8x100x64xf32, #tpu.memory_space<vmem>> -> memref<1x100x64xf32, #tpu.memory_space<vmem>>
      %dma_wait3A_215 = tpu.memref_squeeze %dma_wait3A_214 : memref<1x100x64xf32, #tpu.memory_space<vmem>> -> memref<100x64xf32, #tpu.memory_space<vmem>>
      tpu.wait_dma2 semaphore(%dma_wait3A_208 : memref<!tpu.dma_semaphore, #tpu.memory_space<semaphore_mem>>) src(%dma_wait3A_215 : memref<100x64xf32, #tpu.memory_space<vmem>>) dst(%dma_wait3A_211 : memref<100x64xf32, #tpu.memory_space<hbm>>)
      %add3A_216 = arith.constant 8 : i32
      %add3A_217 = arith.addi %add3A_132, %add3A_216 : i32
      %lt3A_218 = arith.constant 256 : i32
      %lt3A_219 = arith.cmpi slt, %add3A_217, %lt3A_218 : i32
      %convert_element_type3A_220 = arith.extui %lt3A_219 : i1 to i32
      %cond3A_221 = arith.constant 0 : i32
      %cond3A_222 = arith.cmpi ne, %convert_element_type3A_220, %cond3A_221 : i32
      scf.if %cond3A_222 {
        %add3A_951 = arith.constant 8 : i32
        %add3A_952 = arith.addi %add3A_132, %add3A_951 : i32
        %dma_start3A_953 = arith.constant 0 : i32
        %dma_start3A_954 = arith.constant 0 : i32
        %dma_start3A_955 = arith.constant 0 : i32
        %dma_start3A_956 = arith.constant 0 : i32
        %dma_start3A_957 = tpu.memref_slice %arg6[%dma_start3A_953, %dma_start3A_955, %dma_start3A_956] : memref<8x100x64xf32, #tpu.memory_space<vmem>> -> memref<1x100x64xf32, #tpu.memory_space<vmem>>
        %dma_start3A_958 = tpu.memref_squeeze %dma_start3A_957 : memref<1x100x64xf32, #tpu.memory_space<vmem>> -> memref<100x64xf32, #tpu.memory_space<vmem>>
        %dma_start3A_959 = arith.constant 0 : i32
        %dma_start3A_960 = tpu.memref_slice %arg5[%add3A_952, %dma_start3A_959] : memref<256x100xi32, #tpu.memory_space<vmem>> -> memref<1x100xi32, #tpu.memory_space<vmem>>
        %dma_start3A_961 = tpu.memref_squeeze %dma_start3A_960 : memref<1x100xi32, #tpu.memory_space<vmem>> -> memref<100xi32, #tpu.memory_space<vmem>>
        %dma_start3A_962 = arith.constant 0 : i32
        %dma_start3A_963 = arith.constant 0 : i32
        %dma_start3A_964 = tpu.memref_slice %arg7[%dma_start3A_962, %dma_start3A_963] : memref<2048x64xf32, #tpu.memory_space<vmem_shared>> -> memref<2048x64xf32, #tpu.memory_space<vmem_shared>>
        %dma_start3A_965 = tpu.memref_slice %arg8[%dma_start3A_954] : memref<8x!tpu.dma_semaphore, #tpu.memory_space<semaphore_mem>> -> memref<1x!tpu.dma_semaphore, #tpu.memory_space<semaphore_mem>>
        %dma_start3A_966 = tpu.memref_squeeze %dma_start3A_965 : memref<1x!tpu.dma_semaphore, #tpu.memory_space<semaphore_mem>> -> memref<!tpu.dma_semaphore, #tpu.memory_space<semaphore_mem>>
        tpu.enqueue_indirect_dma source(%dma_start3A_964 : memref<2048x64xf32, #tpu.memory_space<vmem_shared>>) target(%dma_start3A_958 : memref<100x64xf32, #tpu.memory_space<vmem>>) offsets(%dma_start3A_961 : memref<100xi32, #tpu.memory_space<vmem>>) semaphore(%dma_start3A_966 : memref<!tpu.dma_semaphore, #tpu.memory_space<semaphore_mem>>)
      } else {
      }
      %mul3A_223 = arith.constant 8 : i32
      %mul3A_224 = arith.muli %scan3A_128, %mul3A_223 : i32
      %add3A_225 = arith.constant 1 : i32
      %add3A_226 = arith.addi %mul3A_224, %add3A_225 : i32
      %dma_wait3A_227 = arith.constant 1 : i32
      %dma_wait3A_228 = arith.constant 1 : i32
      %dma_wait3A_229 = arith.constant 0 : i32
      %dma_wait3A_230 = arith.constant 0 : i32
      %dma_wait3A_231 = tpu.memref_slice %arg6[%dma_wait3A_227, %dma_wait3A_229, %dma_wait3A_230] : memref<8x100x64xf32, #tpu.memory_space<vmem>> -> memref<1x100x64xf32, #tpu.memory_space<vmem>>
      %dma_wait3A_232 = tpu.memref_squeeze %dma_wait3A_231 : memref<1x100x64xf32, #tpu.memory_space<vmem>> -> memref<100x64xf32, #tpu.memory_space<vmem>>
      %dma_wait3A_233 = arith.constant 0 : i32
      %dma_wait3A_234 = tpu.memref_slice %arg5[%add3A_226, %dma_wait3A_233] : memref<256x100xi32, #tpu.memory_space<vmem>> -> memref<1x100xi32, #tpu.memory_space<vmem>>
      %dma_wait3A_235 = tpu.memref_squeeze %dma_wait3A_234 : memref<1x100xi32, #tpu.memory_space<vmem>> -> memref<100xi32, #tpu.memory_space<vmem>>
      %dma_wait3A_236 = arith.constant 0 : i32
      %dma_wait3A_237 = arith.constant 0 : i32
      %dma_wait3A_238 = tpu.memref_slice %arg7[%dma_wait3A_236, %dma_wait3A_237] : memref<2048x64xf32, #tpu.memory_space<vmem_shared>> -> memref<2048x64xf32, #tpu.memory_space<vmem_shared>>
      %dma_wait3A_239 = tpu.memref_slice %arg8[%dma_wait3A_228] : memref<8x!tpu.dma_semaphore, #tpu.memory_space<semaphore_mem>> -> memref<1x!tpu.dma_semaphore, #tpu.memory_space<semaphore_mem>>
      %dma_wait3A_240 = tpu.memref_squeeze %dma_wait3A_239 : memref<1x!tpu.dma_semaphore, #tpu.memory_space<semaphore_mem>> -> memref<!tpu.dma_semaphore, #tpu.memory_space<semaphore_mem>>
      tpu.wait_indirect_dma semaphore(%dma_wait3A_240 : memref<!tpu.dma_semaphore, #tpu.memory_space<semaphore_mem>>) src(%dma_wait3A_238 : memref<2048x64xf32, #tpu.memory_space<vmem_shared>>) dst(%dma_wait3A_232 : memref<100x64xf32, #tpu.memory_space<vmem>>)
      %add3A_241 = arith.addi %mul3A_2, %add3A_226 : i32
      %jit3A_242 = arith.constant 2 : i32
      %div3A_243 = arith.divsi %add3A_241, %jit3A_242 : i32
      %sign3A_244 = arith.constant 0 : i32
      %sign3A_245 = arith.cmpi sgt, %add3A_241, %sign3A_244 : i32
      %sign3A_246 = arith.extui %sign3A_245 : i1 to i32
      %sign3A_247 = arith.constant 0 : i32
      %sign3A_248 = arith.cmpi slt, %add3A_241, %sign3A_247 : i32
      %sign3A_249 = arith.extui %sign3A_248 : i1 to i32
      %sign3A_250 = arith.subi %sign3A_246, %sign3A_249 : i32
      %sign3A_251 = arith.constant 0 : i32
      %sign3A_252 = arith.cmpi sgt, %jit3A_242, %sign3A_251 : i32
      %sign3A_253 = arith.extui %sign3A_252 : i1 to i32
      %sign3A_254 = arith.constant 0 : i32
      %sign3A_255 = arith.cmpi slt, %jit3A_242, %sign3A_254 : i32
      %sign3A_256 = arith.extui %sign3A_255 : i1 to i32
      %sign3A_257 = arith.subi %sign3A_253, %sign3A_256 : i32
      %ne3A_258 = arith.cmpi ne, %sign3A_250, %sign3A_257 : i32
      %rem3A_259 = arith.remsi %add3A_241, %jit3A_242 : i32
      %ne3A_260 = arith.constant 0 : i32
      %ne3A_261 = arith.cmpi ne, %rem3A_259, %ne3A_260 : i32
      %and3A_262 = arith.andi %ne3A_258, %ne3A_261 : i1
      %sub3A_263 = arith.constant 1 : i32
      %sub3A_264 = arith.subi %div3A_243, %sub3A_263 : i32
      %select_n3A_265 = arith.select %and3A_262, %sub3A_264, %div3A_243 : i32
      %jit3A_266 = arith.constant 2 : i32
      %eq3A_267 = arith.constant 0 : i32
      %eq3A_268 = arith.cmpi eq, %jit3A_266, %eq3A_267 : i32
      %jit3A_269 = arith.constant 1 : i32
      %select_n3A_270 = arith.select %eq3A_268, %jit3A_269, %jit3A_266 : i32
      %rem3A_271 = arith.remsi %add3A_241, %select_n3A_270 : i32
      %ne3A_272 = arith.constant 0 : i32
      %ne3A_273 = arith.cmpi ne, %rem3A_271, %ne3A_272 : i32
      %lt3A_274 = arith.constant 0 : i32
      %lt3A_275 = arith.cmpi slt, %rem3A_271, %lt3A_274 : i32
      %lt3A_276 = arith.constant 0 : i32
      %lt3A_277 = arith.cmpi slt, %select_n3A_270, %lt3A_276 : i32
      %ne3A_278 = arith.xori %lt3A_275, %lt3A_277 : i1
      %and3A_279 = arith.andi %ne3A_278, %ne3A_273 : i1
      %add3A_280 = arith.addi %rem3A_271, %select_n3A_270 : i32
      %select_n3A_281 = arith.select %and3A_279, %add3A_280, %rem3A_271 : i32
      %mul3A_282 = arith.constant 100 : i32
      %mul3A_283 = arith.muli %select_n3A_281, %mul3A_282 : i32
      %dma_start3A_284 = arith.constant 1 : i32
      %dma_start3A_285 = arith.constant 1 : i32
      %dma_start3A_286 = arith.constant 0 : i32
      %dma_start3A_287 = arith.constant 0 : i32
      %dma_start3A_288 = tpu.memref_slice %arg6[%dma_start3A_284, %dma_start3A_286, %dma_start3A_287] : memref<8x100x64xf32, #tpu.memory_space<vmem>> -> memref<1x100x64xf32, #tpu.memory_space<vmem>>
      %dma_start3A_289 = tpu.memref_squeeze %dma_start3A_288 : memref<1x100x64xf32, #tpu.memory_space<vmem>> -> memref<100x64xf32, #tpu.memory_space<vmem>>
      %dma_start3A_290 = arith.constant 0 : i32
      %dma_start3A_291 = tpu.memref_slice %arg4[%select_n3A_265, %mul3A_283, %dma_start3A_290] : memref<4096x200x128xf32, #tpu.memory_space<hbm>> -> memref<1x100x64xf32, #tpu.memory_space<hbm>>
      %dma_start3A_292 = tpu.memref_squeeze %dma_start3A_291 : memref<1x100x64xf32, #tpu.memory_space<hbm>> -> memref<100x64xf32, #tpu.memory_space<hbm>>
      %dma_start3A_293 = tpu.memref_slice %arg9[%dma_start3A_285] : memref<8x!tpu.dma_semaphore, #tpu.memory_space<semaphore_mem>> -> memref<1x!tpu.dma_semaphore, #tpu.memory_space<semaphore_mem>>
      %dma_start3A_294 = tpu.memref_squeeze %dma_start3A_293 : memref<1x!tpu.dma_semaphore, #tpu.memory_space<semaphore_mem>> -> memref<!tpu.dma_semaphore, #tpu.memory_space<semaphore_mem>>
      %dma_start3A_295 = arith.constant 0 : i32
      %dma_start3A_296 = tpu.memref_slice %arg4[%select_n3A_265, %mul3A_283, %dma_start3A_295] : memref<4096x200x128xf32, #tpu.memory_space<hbm>> -> memref<1x100x64xf32, #tpu.memory_space<hbm>>
      %dma_start3A_297 = tpu.memref_squeeze %dma_start3A_296 : memref<1x100x64xf32, #tpu.memory_space<hbm>> -> memref<100x64xf32, #tpu.memory_space<hbm>>
      %dma_start3A_298 = arith.constant 0 : i32
      %dma_start3A_299 = arith.constant 0 : i32
      %dma_start3A_300 = tpu.memref_slice %arg6[%dma_start3A_284, %dma_start3A_298, %dma_start3A_299] : memref<8x100x64xf32, #tpu.memory_space<vmem>> -> memref<1x100x64xf32, #tpu.memory_space<vmem>>
      %dma_start3A_301 = tpu.memref_squeeze %dma_start3A_300 : memref<1x100x64xf32, #tpu.memory_space<vmem>> -> memref<100x64xf32, #tpu.memory_space<vmem>>
      tpu.enqueue_dma source(%dma_start3A_301 : memref<100x64xf32, #tpu.memory_space<vmem>>) target(%dma_start3A_297 : memref<100x64xf32, #tpu.memory_space<hbm>>) target_semaphore(%dma_start3A_294 : memref<!tpu.dma_semaphore, #tpu.memory_space<semaphore_mem>>)
      %dma_wait3A_302 = arith.constant 1 : i32
      %dma_wait3A_303 = arith.constant 1 : i32
      %dma_wait3A_304 = arith.constant 0 : i32
      %dma_wait3A_305 = arith.constant 0 : i32
      %dma_wait3A_306 = tpu.memref_slice %arg6[%dma_wait3A_302, %dma_wait3A_304, %dma_wait3A_305] : memref<8x100x64xf32, #tpu.memory_space<vmem>> -> memref<1x100x64xf32, #tpu.memory_space<vmem>>
      %dma_wait3A_307 = tpu.memref_squeeze %dma_wait3A_306 : memref<1x100x64xf32, #tpu.memory_space<vmem>> -> memref<100x64xf32, #tpu.memory_space<vmem>>
      %dma_wait3A_308 = arith.constant 0 : i32
      %dma_wait3A_309 = tpu.memref_slice %arg4[%select_n3A_265, %mul3A_283, %dma_wait3A_308] : memref<4096x200x128xf32, #tpu.memory_space<hbm>> -> memref<1x100x64xf32, #tpu.memory_space<hbm>>
      %dma_wait3A_310 = tpu.memref_squeeze %dma_wait3A_309 : memref<1x100x64xf32, #tpu.memory_space<hbm>> -> memref<100x64xf32, #tpu.memory_space<hbm>>
      %dma_wait3A_311 = tpu.memref_slice %arg9[%dma_wait3A_303] : memref<8x!tpu.dma_semaphore, #tpu.memory_space<semaphore_mem>> -> memref<1x!tpu.dma_semaphore, #tpu.memory_space<semaphore_mem>>
      %dma_wait3A_312 = tpu.memref_squeeze %dma_wait3A_311 : memref<1x!tpu.dma_semaphore, #tpu.memory_space<semaphore_mem>> -> memref<!tpu.dma_semaphore, #tpu.memory_space<semaphore_mem>>
      %dma_wait3A_313 = arith.constant 0 : i32
      %dma_wait3A_314 = tpu.memref_slice %arg4[%select_n3A_265, %mul3A_283, %dma_wait3A_313] : memref<4096x200x128xf32, #tpu.memory_space<hbm>> -> memref<1x100x64xf32, #tpu.memory_space<hbm>>
      %dma_wait3A_315 = tpu.memref_squeeze %dma_wait3A_314 : memref<1x100x64xf32, #tpu.memory_space<hbm>> -> memref<100x64xf32, #tpu.memory_space<hbm>>
      %dma_wait3A_316 = arith.constant 0 : i32
      %dma_wait3A_317 = arith.constant 0 : i32
      %dma_wait3A_318 = tpu.memref_slice %arg6[%dma_wait3A_302, %dma_wait3A_316, %dma_wait3A_317] : memref<8x100x64xf32, #tpu.memory_space<vmem>> -> memref<1x100x64xf32, #tpu.memory_space<vmem>>
      %dma_wait3A_319 = tpu.memref_squeeze %dma_wait3A_318 : memref<1x100x64xf32, #tpu.memory_space<vmem>> -> memref<100x64xf32, #tpu.memory_space<vmem>>
      tpu.wait_dma2 semaphore(%dma_wait3A_312 : memref<!tpu.dma_semaphore, #tpu.memory_space<semaphore_mem>>) src(%dma_wait3A_319 : memref<100x64xf32, #tpu.memory_space<vmem>>) dst(%dma_wait3A_315 : memref<100x64xf32, #tpu.memory_space<hbm>>)
      %add3A_320 = arith.constant 8 : i32
      %add3A_321 = arith.addi %add3A_226, %add3A_320 : i32
      %lt3A_322 = arith.constant 256 : i32
      %lt3A_323 = arith.cmpi slt, %add3A_321, %lt3A_322 : i32
      %convert_element_type3A_324 = arith.extui %lt3A_323 : i1 to i32
      %cond3A_325 = arith.constant 0 : i32
      %cond3A_326 = arith.cmpi ne, %convert_element_type3A_324, %cond3A_325 : i32
      scf.if %cond3A_326 {
        %add3A_951 = arith.constant 8 : i32
        %add3A_952 = arith.addi %add3A_226, %add3A_951 : i32
        %dma_start3A_953 = arith.constant 1 : i32
        %dma_start3A_954 = arith.constant 1 : i32
        %dma_start3A_955 = arith.constant 0 : i32
        %dma_start3A_956 = arith.constant 0 : i32
        %dma_start3A_957 = tpu.memref_slice %arg6[%dma_start3A_953, %dma_start3A_955, %dma_start3A_956] : memref<8x100x64xf32, #tpu.memory_space<vmem>> -> memref<1x100x64xf32, #tpu.memory_space<vmem>>
        %dma_start3A_958 = tpu.memref_squeeze %dma_start3A_957 : memref<1x100x64xf32, #tpu.memory_space<vmem>> -> memref<100x64xf32, #tpu.memory_space<vmem>>
        %dma_start3A_959 = arith.constant 0 : i32
        %dma_start3A_960 = tpu.memref_slice %arg5[%add3A_952, %dma_start3A_959] : memref<256x100xi32, #tpu.memory_space<vmem>> -> memref<1x100xi32, #tpu.memory_space<vmem>>
        %dma_start3A_961 = tpu.memref_squeeze %dma_start3A_960 : memref<1x100xi32, #tpu.memory_space<vmem>> -> memref<100xi32, #tpu.memory_space<vmem>>
        %dma_start3A_962 = arith.constant 0 : i32
        %dma_start3A_963 = arith.constant 0 : i32
        %dma_start3A_964 = tpu.memref_slice %arg7[%dma_start3A_962, %dma_start3A_963] : memref<2048x64xf32, #tpu.memory_space<vmem_shared>> -> memref<2048x64xf32, #tpu.memory_space<vmem_shared>>
        %dma_start3A_965 = tpu.memref_slice %arg8[%dma_start3A_954] : memref<8x!tpu.dma_semaphore, #tpu.memory_space<semaphore_mem>> -> memref<1x!tpu.dma_semaphore, #tpu.memory_space<semaphore_mem>>
        %dma_start3A_966 = tpu.memref_squeeze %dma_start3A_965 : memref<1x!tpu.dma_semaphore, #tpu.memory_space<semaphore_mem>> -> memref<!tpu.dma_semaphore, #tpu.memory_space<semaphore_mem>>
        tpu.enqueue_indirect_dma source(%dma_start3A_964 : memref<2048x64xf32, #tpu.memory_space<vmem_shared>>) target(%dma_start3A_958 : memref<100x64xf32, #tpu.memory_space<vmem>>) offsets(%dma_start3A_961 : memref<100xi32, #tpu.memory_space<vmem>>) semaphore(%dma_start3A_966 : memref<!tpu.dma_semaphore, #tpu.memory_space<semaphore_mem>>)
      } else {
      }
      %mul3A_327 = arith.constant 8 : i32
      %mul3A_328 = arith.muli %scan3A_128, %mul3A_327 : i32
      %add3A_329 = arith.constant 2 : i32
      %add3A_330 = arith.addi %mul3A_328, %add3A_329 : i32
      %dma_wait3A_331 = arith.constant 2 : i32
      %dma_wait3A_332 = arith.constant 2 : i32
      %dma_wait3A_333 = arith.constant 0 : i32
      %dma_wait3A_334 = arith.constant 0 : i32
      %dma_wait3A_335 = tpu.memref_slice %arg6[%dma_wait3A_331, %dma_wait3A_333, %dma_wait3A_334] : memref<8x100x64xf32, #tpu.memory_space<vmem>> -> memref<1x100x64xf32, #tpu.memory_space<vmem>>
      %dma_wait3A_336 = tpu.memref_squeeze %dma_wait3A_335 : memref<1x100x64xf32, #tpu.memory_space<vmem>> -> memref<100x64xf32, #tpu.memory_space<vmem>>
      %dma_wait3A_337 = arith.constant 0 : i32
      %dma_wait3A_338 = tpu.memref_slice %arg5[%add3A_330, %dma_wait3A_337] : memref<256x100xi32, #tpu.memory_space<vmem>> -> memref<1x100xi32, #tpu.memory_space<vmem>>
      %dma_wait3A_339 = tpu.memref_squeeze %dma_wait3A_338 : memref<1x100xi32, #tpu.memory_space<vmem>> -> memref<100xi32, #tpu.memory_space<vmem>>
      %dma_wait3A_340 = arith.constant 0 : i32
      %dma_wait3A_341 = arith.constant 0 : i32
      %dma_wait3A_342 = tpu.memref_slice %arg7[%dma_wait3A_340, %dma_wait3A_341] : memref<2048x64xf32, #tpu.memory_space<vmem_shared>> -> memref<2048x64xf32, #tpu.memory_space<vmem_shared>>
      %dma_wait3A_343 = tpu.memref_slice %arg8[%dma_wait3A_332] : memref<8x!tpu.dma_semaphore, #tpu.memory_space<semaphore_mem>> -> memref<1x!tpu.dma_semaphore, #tpu.memory_space<semaphore_mem>>
      %dma_wait3A_344 = tpu.memref_squeeze %dma_wait3A_343 : memref<1x!tpu.dma_semaphore, #tpu.memory_space<semaphore_mem>> -> memref<!tpu.dma_semaphore, #tpu.memory_space<semaphore_mem>>
      tpu.wait_indirect_dma semaphore(%dma_wait3A_344 : memref<!tpu.dma_semaphore, #tpu.memory_space<semaphore_mem>>) src(%dma_wait3A_342 : memref<2048x64xf32, #tpu.memory_space<vmem_shared>>) dst(%dma_wait3A_336 : memref<100x64xf32, #tpu.memory_space<vmem>>)
      %add3A_345 = arith.addi %mul3A_2, %add3A_330 : i32
      %jit3A_346 = arith.constant 2 : i32
      %div3A_347 = arith.divsi %add3A_345, %jit3A_346 : i32
      %sign3A_348 = arith.constant 0 : i32
      %sign3A_349 = arith.cmpi sgt, %add3A_345, %sign3A_348 : i32
      %sign3A_350 = arith.extui %sign3A_349 : i1 to i32
      %sign3A_351 = arith.constant 0 : i32
      %sign3A_352 = arith.cmpi slt, %add3A_345, %sign3A_351 : i32
      %sign3A_353 = arith.extui %sign3A_352 : i1 to i32
      %sign3A_354 = arith.subi %sign3A_350, %sign3A_353 : i32
      %sign3A_355 = arith.constant 0 : i32
      %sign3A_356 = arith.cmpi sgt, %jit3A_346, %sign3A_355 : i32
      %sign3A_357 = arith.extui %sign3A_356 : i1 to i32
      %sign3A_358 = arith.constant 0 : i32
      %sign3A_359 = arith.cmpi slt, %jit3A_346, %sign3A_358 : i32
      %sign3A_360 = arith.extui %sign3A_359 : i1 to i32
      %sign3A_361 = arith.subi %sign3A_357, %sign3A_360 : i32
      %ne3A_362 = arith.cmpi ne, %sign3A_354, %sign3A_361 : i32
      %rem3A_363 = arith.remsi %add3A_345, %jit3A_346 : i32
      %ne3A_364 = arith.constant 0 : i32
      %ne3A_365 = arith.cmpi ne, %rem3A_363, %ne3A_364 : i32
      %and3A_366 = arith.andi %ne3A_362, %ne3A_365 : i1
      %sub3A_367 = arith.constant 1 : i32
      %sub3A_368 = arith.subi %div3A_347, %sub3A_367 : i32
      %select_n3A_369 = arith.select %and3A_366, %sub3A_368, %div3A_347 : i32
      %jit3A_370 = arith.constant 2 : i32
      %eq3A_371 = arith.constant 0 : i32
      %eq3A_372 = arith.cmpi eq, %jit3A_370, %eq3A_371 : i32
      %jit3A_373 = arith.constant 1 : i32
      %select_n3A_374 = arith.select %eq3A_372, %jit3A_373, %jit3A_370 : i32
      %rem3A_375 = arith.remsi %add3A_345, %select_n3A_374 : i32
      %ne3A_376 = arith.constant 0 : i32
      %ne3A_377 = arith.cmpi ne, %rem3A_375, %ne3A_376 : i32
      %lt3A_378 = arith.constant 0 : i32
      %lt3A_379 = arith.cmpi slt, %rem3A_375, %lt3A_378 : i32
      %lt3A_380 = arith.constant 0 : i32
      %lt3A_381 = arith.cmpi slt, %select_n3A_374, %lt3A_380 : i32
      %ne3A_382 = arith.xori %lt3A_379, %lt3A_381 : i1
      %and3A_383 = arith.andi %ne3A_382, %ne3A_377 : i1
      %add3A_384 = arith.addi %rem3A_375, %select_n3A_374 : i32
      %select_n3A_385 = arith.select %and3A_383, %add3A_384, %rem3A_375 : i32
      %mul3A_386 = arith.constant 100 : i32
      %mul3A_387 = arith.muli %select_n3A_385, %mul3A_386 : i32
      %dma_start3A_388 = arith.constant 2 : i32
      %dma_start3A_389 = arith.constant 2 : i32
      %dma_start3A_390 = arith.constant 0 : i32
      %dma_start3A_391 = arith.constant 0 : i32
      %dma_start3A_392 = tpu.memref_slice %arg6[%dma_start3A_388, %dma_start3A_390, %dma_start3A_391] : memref<8x100x64xf32, #tpu.memory_space<vmem>> -> memref<1x100x64xf32, #tpu.memory_space<vmem>>
      %dma_start3A_393 = tpu.memref_squeeze %dma_start3A_392 : memref<1x100x64xf32, #tpu.memory_space<vmem>> -> memref<100x64xf32, #tpu.memory_space<vmem>>
      %dma_start3A_394 = arith.constant 0 : i32
      %dma_start3A_395 = tpu.memref_slice %arg4[%select_n3A_369, %mul3A_387, %dma_start3A_394] : memref<4096x200x128xf32, #tpu.memory_space<hbm>> -> memref<1x100x64xf32, #tpu.memory_space<hbm>>
      %dma_start3A_396 = tpu.memref_squeeze %dma_start3A_395 : memref<1x100x64xf32, #tpu.memory_space<hbm>> -> memref<100x64xf32, #tpu.memory_space<hbm>>
      %dma_start3A_397 = tpu.memref_slice %arg9[%dma_start3A_389] : memref<8x!tpu.dma_semaphore, #tpu.memory_space<semaphore_mem>> -> memref<1x!tpu.dma_semaphore, #tpu.memory_space<semaphore_mem>>
      %dma_start3A_398 = tpu.memref_squeeze %dma_start3A_397 : memref<1x!tpu.dma_semaphore, #tpu.memory_space<semaphore_mem>> -> memref<!tpu.dma_semaphore, #tpu.memory_space<semaphore_mem>>
      %dma_start3A_399 = arith.constant 0 : i32
      %dma_start3A_400 = tpu.memref_slice %arg4[%select_n3A_369, %mul3A_387, %dma_start3A_399] : memref<4096x200x128xf32, #tpu.memory_space<hbm>> -> memref<1x100x64xf32, #tpu.memory_space<hbm>>
      %dma_start3A_401 = tpu.memref_squeeze %dma_start3A_400 : memref<1x100x64xf32, #tpu.memory_space<hbm>> -> memref<100x64xf32, #tpu.memory_space<hbm>>
      %dma_start3A_402 = arith.constant 0 : i32
      %dma_start3A_403 = arith.constant 0 : i32
      %dma_start3A_404 = tpu.memref_slice %arg6[%dma_start3A_388, %dma_start3A_402, %dma_start3A_403] : memref<8x100x64xf32, #tpu.memory_space<vmem>> -> memref<1x100x64xf32, #tpu.memory_space<vmem>>
      %dma_start3A_405 = tpu.memref_squeeze %dma_start3A_404 : memref<1x100x64xf32, #tpu.memory_space<vmem>> -> memref<100x64xf32, #tpu.memory_space<vmem>>
      tpu.enqueue_dma source(%dma_start3A_405 : memref<100x64xf32, #tpu.memory_space<vmem>>) target(%dma_start3A_401 : memref<100x64xf32, #tpu.memory_space<hbm>>) target_semaphore(%dma_start3A_398 : memref<!tpu.dma_semaphore, #tpu.memory_space<semaphore_mem>>)
      %dma_wait3A_406 = arith.constant 2 : i32
      %dma_wait3A_407 = arith.constant 2 : i32
      %dma_wait3A_408 = arith.constant 0 : i32
      %dma_wait3A_409 = arith.constant 0 : i32
      %dma_wait3A_410 = tpu.memref_slice %arg6[%dma_wait3A_406, %dma_wait3A_408, %dma_wait3A_409] : memref<8x100x64xf32, #tpu.memory_space<vmem>> -> memref<1x100x64xf32, #tpu.memory_space<vmem>>
      %dma_wait3A_411 = tpu.memref_squeeze %dma_wait3A_410 : memref<1x100x64xf32, #tpu.memory_space<vmem>> -> memref<100x64xf32, #tpu.memory_space<vmem>>
      %dma_wait3A_412 = arith.constant 0 : i32
      %dma_wait3A_413 = tpu.memref_slice %arg4[%select_n3A_369, %mul3A_387, %dma_wait3A_412] : memref<4096x200x128xf32, #tpu.memory_space<hbm>> -> memref<1x100x64xf32, #tpu.memory_space<hbm>>
      %dma_wait3A_414 = tpu.memref_squeeze %dma_wait3A_413 : memref<1x100x64xf32, #tpu.memory_space<hbm>> -> memref<100x64xf32, #tpu.memory_space<hbm>>
      %dma_wait3A_415 = tpu.memref_slice %arg9[%dma_wait3A_407] : memref<8x!tpu.dma_semaphore, #tpu.memory_space<semaphore_mem>> -> memref<1x!tpu.dma_semaphore, #tpu.memory_space<semaphore_mem>>
      %dma_wait3A_416 = tpu.memref_squeeze %dma_wait3A_415 : memref<1x!tpu.dma_semaphore, #tpu.memory_space<semaphore_mem>> -> memref<!tpu.dma_semaphore, #tpu.memory_space<semaphore_mem>>
      %dma_wait3A_417 = arith.constant 0 : i32
      %dma_wait3A_418 = tpu.memref_slice %arg4[%select_n3A_369, %mul3A_387, %dma_wait3A_417] : memref<4096x200x128xf32, #tpu.memory_space<hbm>> -> memref<1x100x64xf32, #tpu.memory_space<hbm>>
      %dma_wait3A_419 = tpu.memref_squeeze %dma_wait3A_418 : memref<1x100x64xf32, #tpu.memory_space<hbm>> -> memref<100x64xf32, #tpu.memory_space<hbm>>
      %dma_wait3A_420 = arith.constant 0 : i32
      %dma_wait3A_421 = arith.constant 0 : i32
      %dma_wait3A_422 = tpu.memref_slice %arg6[%dma_wait3A_406, %dma_wait3A_420, %dma_wait3A_421] : memref<8x100x64xf32, #tpu.memory_space<vmem>> -> memref<1x100x64xf32, #tpu.memory_space<vmem>>
      %dma_wait3A_423 = tpu.memref_squeeze %dma_wait3A_422 : memref<1x100x64xf32, #tpu.memory_space<vmem>> -> memref<100x64xf32, #tpu.memory_space<vmem>>
      tpu.wait_dma2 semaphore(%dma_wait3A_416 : memref<!tpu.dma_semaphore, #tpu.memory_space<semaphore_mem>>) src(%dma_wait3A_423 : memref<100x64xf32, #tpu.memory_space<vmem>>) dst(%dma_wait3A_419 : memref<100x64xf32, #tpu.memory_space<hbm>>)
      %add3A_424 = arith.constant 8 : i32
      %add3A_425 = arith.addi %add3A_330, %add3A_424 : i32
      %lt3A_426 = arith.constant 256 : i32
      %lt3A_427 = arith.cmpi slt, %add3A_425, %lt3A_426 : i32
      %convert_element_type3A_428 = arith.extui %lt3A_427 : i1 to i32
      %cond3A_429 = arith.constant 0 : i32
      %cond3A_430 = arith.cmpi ne, %convert_element_type3A_428, %cond3A_429 : i32
      scf.if %cond3A_430 {
        %add3A_951 = arith.constant 8 : i32
        %add3A_952 = arith.addi %add3A_330, %add3A_951 : i32
        %dma_start3A_953 = arith.constant 2 : i32
        %dma_start3A_954 = arith.constant 2 : i32
        %dma_start3A_955 = arith.constant 0 : i32
        %dma_start3A_956 = arith.constant 0 : i32
        %dma_start3A_957 = tpu.memref_slice %arg6[%dma_start3A_953, %dma_start3A_955, %dma_start3A_956] : memref<8x100x64xf32, #tpu.memory_space<vmem>> -> memref<1x100x64xf32, #tpu.memory_space<vmem>>
        %dma_start3A_958 = tpu.memref_squeeze %dma_start3A_957 : memref<1x100x64xf32, #tpu.memory_space<vmem>> -> memref<100x64xf32, #tpu.memory_space<vmem>>
        %dma_start3A_959 = arith.constant 0 : i32
        %dma_start3A_960 = tpu.memref_slice %arg5[%add3A_952, %dma_start3A_959] : memref<256x100xi32, #tpu.memory_space<vmem>> -> memref<1x100xi32, #tpu.memory_space<vmem>>
        %dma_start3A_961 = tpu.memref_squeeze %dma_start3A_960 : memref<1x100xi32, #tpu.memory_space<vmem>> -> memref<100xi32, #tpu.memory_space<vmem>>
        %dma_start3A_962 = arith.constant 0 : i32
        %dma_start3A_963 = arith.constant 0 : i32
        %dma_start3A_964 = tpu.memref_slice %arg7[%dma_start3A_962, %dma_start3A_963] : memref<2048x64xf32, #tpu.memory_space<vmem_shared>> -> memref<2048x64xf32, #tpu.memory_space<vmem_shared>>
        %dma_start3A_965 = tpu.memref_slice %arg8[%dma_start3A_954] : memref<8x!tpu.dma_semaphore, #tpu.memory_space<semaphore_mem>> -> memref<1x!tpu.dma_semaphore, #tpu.memory_space<semaphore_mem>>
        %dma_start3A_966 = tpu.memref_squeeze %dma_start3A_965 : memref<1x!tpu.dma_semaphore, #tpu.memory_space<semaphore_mem>> -> memref<!tpu.dma_semaphore, #tpu.memory_space<semaphore_mem>>
        tpu.enqueue_indirect_dma source(%dma_start3A_964 : memref<2048x64xf32, #tpu.memory_space<vmem_shared>>) target(%dma_start3A_958 : memref<100x64xf32, #tpu.memory_space<vmem>>) offsets(%dma_start3A_961 : memref<100xi32, #tpu.memory_space<vmem>>) semaphore(%dma_start3A_966 : memref<!tpu.dma_semaphore, #tpu.memory_space<semaphore_mem>>)
      } else {
      }
      %mul3A_431 = arith.constant 8 : i32
      %mul3A_432 = arith.muli %scan3A_128, %mul3A_431 : i32
      %add3A_433 = arith.constant 3 : i32
      %add3A_434 = arith.addi %mul3A_432, %add3A_433 : i32
      %dma_wait3A_435 = arith.constant 3 : i32
      %dma_wait3A_436 = arith.constant 3 : i32
      %dma_wait3A_437 = arith.constant 0 : i32
      %dma_wait3A_438 = arith.constant 0 : i32
      %dma_wait3A_439 = tpu.memref_slice %arg6[%dma_wait3A_435, %dma_wait3A_437, %dma_wait3A_438] : memref<8x100x64xf32, #tpu.memory_space<vmem>> -> memref<1x100x64xf32, #tpu.memory_space<vmem>>
      %dma_wait3A_440 = tpu.memref_squeeze %dma_wait3A_439 : memref<1x100x64xf32, #tpu.memory_space<vmem>> -> memref<100x64xf32, #tpu.memory_space<vmem>>
      %dma_wait3A_441 = arith.constant 0 : i32
      %dma_wait3A_442 = tpu.memref_slice %arg5[%add3A_434, %dma_wait3A_441] : memref<256x100xi32, #tpu.memory_space<vmem>> -> memref<1x100xi32, #tpu.memory_space<vmem>>
      %dma_wait3A_443 = tpu.memref_squeeze %dma_wait3A_442 : memref<1x100xi32, #tpu.memory_space<vmem>> -> memref<100xi32, #tpu.memory_space<vmem>>
      %dma_wait3A_444 = arith.constant 0 : i32
      %dma_wait3A_445 = arith.constant 0 : i32
      %dma_wait3A_446 = tpu.memref_slice %arg7[%dma_wait3A_444, %dma_wait3A_445] : memref<2048x64xf32, #tpu.memory_space<vmem_shared>> -> memref<2048x64xf32, #tpu.memory_space<vmem_shared>>
      %dma_wait3A_447 = tpu.memref_slice %arg8[%dma_wait3A_436] : memref<8x!tpu.dma_semaphore, #tpu.memory_space<semaphore_mem>> -> memref<1x!tpu.dma_semaphore, #tpu.memory_space<semaphore_mem>>
      %dma_wait3A_448 = tpu.memref_squeeze %dma_wait3A_447 : memref<1x!tpu.dma_semaphore, #tpu.memory_space<semaphore_mem>> -> memref<!tpu.dma_semaphore, #tpu.memory_space<semaphore_mem>>
      tpu.wait_indirect_dma semaphore(%dma_wait3A_448 : memref<!tpu.dma_semaphore, #tpu.memory_space<semaphore_mem>>) src(%dma_wait3A_446 : memref<2048x64xf32, #tpu.memory_space<vmem_shared>>) dst(%dma_wait3A_440 : memref<100x64xf32, #tpu.memory_space<vmem>>)
      %add3A_449 = arith.addi %mul3A_2, %add3A_434 : i32
      %jit3A_450 = arith.constant 2 : i32
      %div3A_451 = arith.divsi %add3A_449, %jit3A_450 : i32
      %sign3A_452 = arith.constant 0 : i32
      %sign3A_453 = arith.cmpi sgt, %add3A_449, %sign3A_452 : i32
      %sign3A_454 = arith.extui %sign3A_453 : i1 to i32
      %sign3A_455 = arith.constant 0 : i32
      %sign3A_456 = arith.cmpi slt, %add3A_449, %sign3A_455 : i32
      %sign3A_457 = arith.extui %sign3A_456 : i1 to i32
      %sign3A_458 = arith.subi %sign3A_454, %sign3A_457 : i32
      %sign3A_459 = arith.constant 0 : i32
      %sign3A_460 = arith.cmpi sgt, %jit3A_450, %sign3A_459 : i32
      %sign3A_461 = arith.extui %sign3A_460 : i1 to i32
      %sign3A_462 = arith.constant 0 : i32
      %sign3A_463 = arith.cmpi slt, %jit3A_450, %sign3A_462 : i32
      %sign3A_464 = arith.extui %sign3A_463 : i1 to i32
      %sign3A_465 = arith.subi %sign3A_461, %sign3A_464 : i32
      %ne3A_466 = arith.cmpi ne, %sign3A_458, %sign3A_465 : i32
      %rem3A_467 = arith.remsi %add3A_449, %jit3A_450 : i32
      %ne3A_468 = arith.constant 0 : i32
      %ne3A_469 = arith.cmpi ne, %rem3A_467, %ne3A_468 : i32
      %and3A_470 = arith.andi %ne3A_466, %ne3A_469 : i1
      %sub3A_471 = arith.constant 1 : i32
      %sub3A_472 = arith.subi %div3A_451, %sub3A_471 : i32
      %select_n3A_473 = arith.select %and3A_470, %sub3A_472, %div3A_451 : i32
      %jit3A_474 = arith.constant 2 : i32
      %eq3A_475 = arith.constant 0 : i32
      %eq3A_476 = arith.cmpi eq, %jit3A_474, %eq3A_475 : i32
      %jit3A_477 = arith.constant 1 : i32
      %select_n3A_478 = arith.select %eq3A_476, %jit3A_477, %jit3A_474 : i32
      %rem3A_479 = arith.remsi %add3A_449, %select_n3A_478 : i32
      %ne3A_480 = arith.constant 0 : i32
      %ne3A_481 = arith.cmpi ne, %rem3A_479, %ne3A_480 : i32
      %lt3A_482 = arith.constant 0 : i32
      %lt3A_483 = arith.cmpi slt, %rem3A_479, %lt3A_482 : i32
      %lt3A_484 = arith.constant 0 : i32
      %lt3A_485 = arith.cmpi slt, %select_n3A_478, %lt3A_484 : i32
      %ne3A_486 = arith.xori %lt3A_483, %lt3A_485 : i1
      %and3A_487 = arith.andi %ne3A_486, %ne3A_481 : i1
      %add3A_488 = arith.addi %rem3A_479, %select_n3A_478 : i32
      %select_n3A_489 = arith.select %and3A_487, %add3A_488, %rem3A_479 : i32
      %mul3A_490 = arith.constant 100 : i32
      %mul3A_491 = arith.muli %select_n3A_489, %mul3A_490 : i32
      %dma_start3A_492 = arith.constant 3 : i32
      %dma_start3A_493 = arith.constant 3 : i32
      %dma_start3A_494 = arith.constant 0 : i32
      %dma_start3A_495 = arith.constant 0 : i32
      %dma_start3A_496 = tpu.memref_slice %arg6[%dma_start3A_492, %dma_start3A_494, %dma_start3A_495] : memref<8x100x64xf32, #tpu.memory_space<vmem>> -> memref<1x100x64xf32, #tpu.memory_space<vmem>>
      %dma_start3A_497 = tpu.memref_squeeze %dma_start3A_496 : memref<1x100x64xf32, #tpu.memory_space<vmem>> -> memref<100x64xf32, #tpu.memory_space<vmem>>
      %dma_start3A_498 = arith.constant 0 : i32
      %dma_start3A_499 = tpu.memref_slice %arg4[%select_n3A_473, %mul3A_491, %dma_start3A_498] : memref<4096x200x128xf32, #tpu.memory_space<hbm>> -> memref<1x100x64xf32, #tpu.memory_space<hbm>>
      %dma_start3A_500 = tpu.memref_squeeze %dma_start3A_499 : memref<1x100x64xf32, #tpu.memory_space<hbm>> -> memref<100x64xf32, #tpu.memory_space<hbm>>
      %dma_start3A_501 = tpu.memref_slice %arg9[%dma_start3A_493] : memref<8x!tpu.dma_semaphore, #tpu.memory_space<semaphore_mem>> -> memref<1x!tpu.dma_semaphore, #tpu.memory_space<semaphore_mem>>
      %dma_start3A_502 = tpu.memref_squeeze %dma_start3A_501 : memref<1x!tpu.dma_semaphore, #tpu.memory_space<semaphore_mem>> -> memref<!tpu.dma_semaphore, #tpu.memory_space<semaphore_mem>>
      %dma_start3A_503 = arith.constant 0 : i32
      %dma_start3A_504 = tpu.memref_slice %arg4[%select_n3A_473, %mul3A_491, %dma_start3A_503] : memref<4096x200x128xf32, #tpu.memory_space<hbm>> -> memref<1x100x64xf32, #tpu.memory_space<hbm>>
      %dma_start3A_505 = tpu.memref_squeeze %dma_start3A_504 : memref<1x100x64xf32, #tpu.memory_space<hbm>> -> memref<100x64xf32, #tpu.memory_space<hbm>>
      %dma_start3A_506 = arith.constant 0 : i32
      %dma_start3A_507 = arith.constant 0 : i32
      %dma_start3A_508 = tpu.memref_slice %arg6[%dma_start3A_492, %dma_start3A_506, %dma_start3A_507] : memref<8x100x64xf32, #tpu.memory_space<vmem>> -> memref<1x100x64xf32, #tpu.memory_space<vmem>>
      %dma_start3A_509 = tpu.memref_squeeze %dma_start3A_508 : memref<1x100x64xf32, #tpu.memory_space<vmem>> -> memref<100x64xf32, #tpu.memory_space<vmem>>
      tpu.enqueue_dma source(%dma_start3A_509 : memref<100x64xf32, #tpu.memory_space<vmem>>) target(%dma_start3A_505 : memref<100x64xf32, #tpu.memory_space<hbm>>) target_semaphore(%dma_start3A_502 : memref<!tpu.dma_semaphore, #tpu.memory_space<semaphore_mem>>)
      %dma_wait3A_510 = arith.constant 3 : i32
      %dma_wait3A_511 = arith.constant 3 : i32
      %dma_wait3A_512 = arith.constant 0 : i32
      %dma_wait3A_513 = arith.constant 0 : i32
      %dma_wait3A_514 = tpu.memref_slice %arg6[%dma_wait3A_510, %dma_wait3A_512, %dma_wait3A_513] : memref<8x100x64xf32, #tpu.memory_space<vmem>> -> memref<1x100x64xf32, #tpu.memory_space<vmem>>
      %dma_wait3A_515 = tpu.memref_squeeze %dma_wait3A_514 : memref<1x100x64xf32, #tpu.memory_space<vmem>> -> memref<100x64xf32, #tpu.memory_space<vmem>>
      %dma_wait3A_516 = arith.constant 0 : i32
      %dma_wait3A_517 = tpu.memref_slice %arg4[%select_n3A_473, %mul3A_491, %dma_wait3A_516] : memref<4096x200x128xf32, #tpu.memory_space<hbm>> -> memref<1x100x64xf32, #tpu.memory_space<hbm>>
      %dma_wait3A_518 = tpu.memref_squeeze %dma_wait3A_517 : memref<1x100x64xf32, #tpu.memory_space<hbm>> -> memref<100x64xf32, #tpu.memory_space<hbm>>
      %dma_wait3A_519 = tpu.memref_slice %arg9[%dma_wait3A_511] : memref<8x!tpu.dma_semaphore, #tpu.memory_space<semaphore_mem>> -> memref<1x!tpu.dma_semaphore, #tpu.memory_space<semaphore_mem>>
      %dma_wait3A_520 = tpu.memref_squeeze %dma_wait3A_519 : memref<1x!tpu.dma_semaphore, #tpu.memory_space<semaphore_mem>> -> memref<!tpu.dma_semaphore, #tpu.memory_space<semaphore_mem>>
      %dma_wait3A_521 = arith.constant 0 : i32
      %dma_wait3A_522 = tpu.memref_slice %arg4[%select_n3A_473, %mul3A_491, %dma_wait3A_521] : memref<4096x200x128xf32, #tpu.memory_space<hbm>> -> memref<1x100x64xf32, #tpu.memory_space<hbm>>
      %dma_wait3A_523 = tpu.memref_squeeze %dma_wait3A_522 : memref<1x100x64xf32, #tpu.memory_space<hbm>> -> memref<100x64xf32, #tpu.memory_space<hbm>>
      %dma_wait3A_524 = arith.constant 0 : i32
      %dma_wait3A_525 = arith.constant 0 : i32
      %dma_wait3A_526 = tpu.memref_slice %arg6[%dma_wait3A_510, %dma_wait3A_524, %dma_wait3A_525] : memref<8x100x64xf32, #tpu.memory_space<vmem>> -> memref<1x100x64xf32, #tpu.memory_space<vmem>>
      %dma_wait3A_527 = tpu.memref_squeeze %dma_wait3A_526 : memref<1x100x64xf32, #tpu.memory_space<vmem>> -> memref<100x64xf32, #tpu.memory_space<vmem>>
      tpu.wait_dma2 semaphore(%dma_wait3A_520 : memref<!tpu.dma_semaphore, #tpu.memory_space<semaphore_mem>>) src(%dma_wait3A_527 : memref<100x64xf32, #tpu.memory_space<vmem>>) dst(%dma_wait3A_523 : memref<100x64xf32, #tpu.memory_space<hbm>>)
      %add3A_528 = arith.constant 8 : i32
      %add3A_529 = arith.addi %add3A_434, %add3A_528 : i32
      %lt3A_530 = arith.constant 256 : i32
      %lt3A_531 = arith.cmpi slt, %add3A_529, %lt3A_530 : i32
      %convert_element_type3A_532 = arith.extui %lt3A_531 : i1 to i32
      %cond3A_533 = arith.constant 0 : i32
      %cond3A_534 = arith.cmpi ne, %convert_element_type3A_532, %cond3A_533 : i32
      scf.if %cond3A_534 {
        %add3A_951 = arith.constant 8 : i32
        %add3A_952 = arith.addi %add3A_434, %add3A_951 : i32
        %dma_start3A_953 = arith.constant 3 : i32
        %dma_start3A_954 = arith.constant 3 : i32
        %dma_start3A_955 = arith.constant 0 : i32
        %dma_start3A_956 = arith.constant 0 : i32
        %dma_start3A_957 = tpu.memref_slice %arg6[%dma_start3A_953, %dma_start3A_955, %dma_start3A_956] : memref<8x100x64xf32, #tpu.memory_space<vmem>> -> memref<1x100x64xf32, #tpu.memory_space<vmem>>
        %dma_start3A_958 = tpu.memref_squeeze %dma_start3A_957 : memref<1x100x64xf32, #tpu.memory_space<vmem>> -> memref<100x64xf32, #tpu.memory_space<vmem>>
        %dma_start3A_959 = arith.constant 0 : i32
        %dma_start3A_960 = tpu.memref_slice %arg5[%add3A_952, %dma_start3A_959] : memref<256x100xi32, #tpu.memory_space<vmem>> -> memref<1x100xi32, #tpu.memory_space<vmem>>
        %dma_start3A_961 = tpu.memref_squeeze %dma_start3A_960 : memref<1x100xi32, #tpu.memory_space<vmem>> -> memref<100xi32, #tpu.memory_space<vmem>>
        %dma_start3A_962 = arith.constant 0 : i32
        %dma_start3A_963 = arith.constant 0 : i32
        %dma_start3A_964 = tpu.memref_slice %arg7[%dma_start3A_962, %dma_start3A_963] : memref<2048x64xf32, #tpu.memory_space<vmem_shared>> -> memref<2048x64xf32, #tpu.memory_space<vmem_shared>>
        %dma_start3A_965 = tpu.memref_slice %arg8[%dma_start3A_954] : memref<8x!tpu.dma_semaphore, #tpu.memory_space<semaphore_mem>> -> memref<1x!tpu.dma_semaphore, #tpu.memory_space<semaphore_mem>>
        %dma_start3A_966 = tpu.memref_squeeze %dma_start3A_965 : memref<1x!tpu.dma_semaphore, #tpu.memory_space<semaphore_mem>> -> memref<!tpu.dma_semaphore, #tpu.memory_space<semaphore_mem>>
        tpu.enqueue_indirect_dma source(%dma_start3A_964 : memref<2048x64xf32, #tpu.memory_space<vmem_shared>>) target(%dma_start3A_958 : memref<100x64xf32, #tpu.memory_space<vmem>>) offsets(%dma_start3A_961 : memref<100xi32, #tpu.memory_space<vmem>>) semaphore(%dma_start3A_966 : memref<!tpu.dma_semaphore, #tpu.memory_space<semaphore_mem>>)
      } else {
      }
      %mul3A_535 = arith.constant 8 : i32
      %mul3A_536 = arith.muli %scan3A_128, %mul3A_535 : i32
      %add3A_537 = arith.constant 4 : i32
      %add3A_538 = arith.addi %mul3A_536, %add3A_537 : i32
      %dma_wait3A_539 = arith.constant 4 : i32
      %dma_wait3A_540 = arith.constant 4 : i32
      %dma_wait3A_541 = arith.constant 0 : i32
      %dma_wait3A_542 = arith.constant 0 : i32
      %dma_wait3A_543 = tpu.memref_slice %arg6[%dma_wait3A_539, %dma_wait3A_541, %dma_wait3A_542] : memref<8x100x64xf32, #tpu.memory_space<vmem>> -> memref<1x100x64xf32, #tpu.memory_space<vmem>>
      %dma_wait3A_544 = tpu.memref_squeeze %dma_wait3A_543 : memref<1x100x64xf32, #tpu.memory_space<vmem>> -> memref<100x64xf32, #tpu.memory_space<vmem>>
      %dma_wait3A_545 = arith.constant 0 : i32
      %dma_wait3A_546 = tpu.memref_slice %arg5[%add3A_538, %dma_wait3A_545] : memref<256x100xi32, #tpu.memory_space<vmem>> -> memref<1x100xi32, #tpu.memory_space<vmem>>
      %dma_wait3A_547 = tpu.memref_squeeze %dma_wait3A_546 : memref<1x100xi32, #tpu.memory_space<vmem>> -> memref<100xi32, #tpu.memory_space<vmem>>
      %dma_wait3A_548 = arith.constant 0 : i32
      %dma_wait3A_549 = arith.constant 0 : i32
      %dma_wait3A_550 = tpu.memref_slice %arg7[%dma_wait3A_548, %dma_wait3A_549] : memref<2048x64xf32, #tpu.memory_space<vmem_shared>> -> memref<2048x64xf32, #tpu.memory_space<vmem_shared>>
      %dma_wait3A_551 = tpu.memref_slice %arg8[%dma_wait3A_540] : memref<8x!tpu.dma_semaphore, #tpu.memory_space<semaphore_mem>> -> memref<1x!tpu.dma_semaphore, #tpu.memory_space<semaphore_mem>>
      %dma_wait3A_552 = tpu.memref_squeeze %dma_wait3A_551 : memref<1x!tpu.dma_semaphore, #tpu.memory_space<semaphore_mem>> -> memref<!tpu.dma_semaphore, #tpu.memory_space<semaphore_mem>>
      tpu.wait_indirect_dma semaphore(%dma_wait3A_552 : memref<!tpu.dma_semaphore, #tpu.memory_space<semaphore_mem>>) src(%dma_wait3A_550 : memref<2048x64xf32, #tpu.memory_space<vmem_shared>>) dst(%dma_wait3A_544 : memref<100x64xf32, #tpu.memory_space<vmem>>)
      %add3A_553 = arith.addi %mul3A_2, %add3A_538 : i32
      %jit3A_554 = arith.constant 2 : i32
      %div3A_555 = arith.divsi %add3A_553, %jit3A_554 : i32
      %sign3A_556 = arith.constant 0 : i32
      %sign3A_557 = arith.cmpi sgt, %add3A_553, %sign3A_556 : i32
      %sign3A_558 = arith.extui %sign3A_557 : i1 to i32
      %sign3A_559 = arith.constant 0 : i32
      %sign3A_560 = arith.cmpi slt, %add3A_553, %sign3A_559 : i32
      %sign3A_561 = arith.extui %sign3A_560 : i1 to i32
      %sign3A_562 = arith.subi %sign3A_558, %sign3A_561 : i32
      %sign3A_563 = arith.constant 0 : i32
      %sign3A_564 = arith.cmpi sgt, %jit3A_554, %sign3A_563 : i32
      %sign3A_565 = arith.extui %sign3A_564 : i1 to i32
      %sign3A_566 = arith.constant 0 : i32
      %sign3A_567 = arith.cmpi slt, %jit3A_554, %sign3A_566 : i32
      %sign3A_568 = arith.extui %sign3A_567 : i1 to i32
      %sign3A_569 = arith.subi %sign3A_565, %sign3A_568 : i32
      %ne3A_570 = arith.cmpi ne, %sign3A_562, %sign3A_569 : i32
      %rem3A_571 = arith.remsi %add3A_553, %jit3A_554 : i32
      %ne3A_572 = arith.constant 0 : i32
      %ne3A_573 = arith.cmpi ne, %rem3A_571, %ne3A_572 : i32
      %and3A_574 = arith.andi %ne3A_570, %ne3A_573 : i1
      %sub3A_575 = arith.constant 1 : i32
      %sub3A_576 = arith.subi %div3A_555, %sub3A_575 : i32
      %select_n3A_577 = arith.select %and3A_574, %sub3A_576, %div3A_555 : i32
      %jit3A_578 = arith.constant 2 : i32
      %eq3A_579 = arith.constant 0 : i32
      %eq3A_580 = arith.cmpi eq, %jit3A_578, %eq3A_579 : i32
      %jit3A_581 = arith.constant 1 : i32
      %select_n3A_582 = arith.select %eq3A_580, %jit3A_581, %jit3A_578 : i32
      %rem3A_583 = arith.remsi %add3A_553, %select_n3A_582 : i32
      %ne3A_584 = arith.constant 0 : i32
      %ne3A_585 = arith.cmpi ne, %rem3A_583, %ne3A_584 : i32
      %lt3A_586 = arith.constant 0 : i32
      %lt3A_587 = arith.cmpi slt, %rem3A_583, %lt3A_586 : i32
      %lt3A_588 = arith.constant 0 : i32
      %lt3A_589 = arith.cmpi slt, %select_n3A_582, %lt3A_588 : i32
      %ne3A_590 = arith.xori %lt3A_587, %lt3A_589 : i1
      %and3A_591 = arith.andi %ne3A_590, %ne3A_585 : i1
      %add3A_592 = arith.addi %rem3A_583, %select_n3A_582 : i32
      %select_n3A_593 = arith.select %and3A_591, %add3A_592, %rem3A_583 : i32
      %mul3A_594 = arith.constant 100 : i32
      %mul3A_595 = arith.muli %select_n3A_593, %mul3A_594 : i32
      %dma_start3A_596 = arith.constant 4 : i32
      %dma_start3A_597 = arith.constant 4 : i32
      %dma_start3A_598 = arith.constant 0 : i32
      %dma_start3A_599 = arith.constant 0 : i32
      %dma_start3A_600 = tpu.memref_slice %arg6[%dma_start3A_596, %dma_start3A_598, %dma_start3A_599] : memref<8x100x64xf32, #tpu.memory_space<vmem>> -> memref<1x100x64xf32, #tpu.memory_space<vmem>>
      %dma_start3A_601 = tpu.memref_squeeze %dma_start3A_600 : memref<1x100x64xf32, #tpu.memory_space<vmem>> -> memref<100x64xf32, #tpu.memory_space<vmem>>
      %dma_start3A_602 = arith.constant 0 : i32
      %dma_start3A_603 = tpu.memref_slice %arg4[%select_n3A_577, %mul3A_595, %dma_start3A_602] : memref<4096x200x128xf32, #tpu.memory_space<hbm>> -> memref<1x100x64xf32, #tpu.memory_space<hbm>>
      %dma_start3A_604 = tpu.memref_squeeze %dma_start3A_603 : memref<1x100x64xf32, #tpu.memory_space<hbm>> -> memref<100x64xf32, #tpu.memory_space<hbm>>
      %dma_start3A_605 = tpu.memref_slice %arg9[%dma_start3A_597] : memref<8x!tpu.dma_semaphore, #tpu.memory_space<semaphore_mem>> -> memref<1x!tpu.dma_semaphore, #tpu.memory_space<semaphore_mem>>
      %dma_start3A_606 = tpu.memref_squeeze %dma_start3A_605 : memref<1x!tpu.dma_semaphore, #tpu.memory_space<semaphore_mem>> -> memref<!tpu.dma_semaphore, #tpu.memory_space<semaphore_mem>>
      %dma_start3A_607 = arith.constant 0 : i32
      %dma_start3A_608 = tpu.memref_slice %arg4[%select_n3A_577, %mul3A_595, %dma_start3A_607] : memref<4096x200x128xf32, #tpu.memory_space<hbm>> -> memref<1x100x64xf32, #tpu.memory_space<hbm>>
      %dma_start3A_609 = tpu.memref_squeeze %dma_start3A_608 : memref<1x100x64xf32, #tpu.memory_space<hbm>> -> memref<100x64xf32, #tpu.memory_space<hbm>>
      %dma_start3A_610 = arith.constant 0 : i32
      %dma_start3A_611 = arith.constant 0 : i32
      %dma_start3A_612 = tpu.memref_slice %arg6[%dma_start3A_596, %dma_start3A_610, %dma_start3A_611] : memref<8x100x64xf32, #tpu.memory_space<vmem>> -> memref<1x100x64xf32, #tpu.memory_space<vmem>>
      %dma_start3A_613 = tpu.memref_squeeze %dma_start3A_612 : memref<1x100x64xf32, #tpu.memory_space<vmem>> -> memref<100x64xf32, #tpu.memory_space<vmem>>
      tpu.enqueue_dma source(%dma_start3A_613 : memref<100x64xf32, #tpu.memory_space<vmem>>) target(%dma_start3A_609 : memref<100x64xf32, #tpu.memory_space<hbm>>) target_semaphore(%dma_start3A_606 : memref<!tpu.dma_semaphore, #tpu.memory_space<semaphore_mem>>)
      %dma_wait3A_614 = arith.constant 4 : i32
      %dma_wait3A_615 = arith.constant 4 : i32
      %dma_wait3A_616 = arith.constant 0 : i32
      %dma_wait3A_617 = arith.constant 0 : i32
      %dma_wait3A_618 = tpu.memref_slice %arg6[%dma_wait3A_614, %dma_wait3A_616, %dma_wait3A_617] : memref<8x100x64xf32, #tpu.memory_space<vmem>> -> memref<1x100x64xf32, #tpu.memory_space<vmem>>
      %dma_wait3A_619 = tpu.memref_squeeze %dma_wait3A_618 : memref<1x100x64xf32, #tpu.memory_space<vmem>> -> memref<100x64xf32, #tpu.memory_space<vmem>>
      %dma_wait3A_620 = arith.constant 0 : i32
      %dma_wait3A_621 = tpu.memref_slice %arg4[%select_n3A_577, %mul3A_595, %dma_wait3A_620] : memref<4096x200x128xf32, #tpu.memory_space<hbm>> -> memref<1x100x64xf32, #tpu.memory_space<hbm>>
      %dma_wait3A_622 = tpu.memref_squeeze %dma_wait3A_621 : memref<1x100x64xf32, #tpu.memory_space<hbm>> -> memref<100x64xf32, #tpu.memory_space<hbm>>
      %dma_wait3A_623 = tpu.memref_slice %arg9[%dma_wait3A_615] : memref<8x!tpu.dma_semaphore, #tpu.memory_space<semaphore_mem>> -> memref<1x!tpu.dma_semaphore, #tpu.memory_space<semaphore_mem>>
      %dma_wait3A_624 = tpu.memref_squeeze %dma_wait3A_623 : memref<1x!tpu.dma_semaphore, #tpu.memory_space<semaphore_mem>> -> memref<!tpu.dma_semaphore, #tpu.memory_space<semaphore_mem>>
      %dma_wait3A_625 = arith.constant 0 : i32
      %dma_wait3A_626 = tpu.memref_slice %arg4[%select_n3A_577, %mul3A_595, %dma_wait3A_625] : memref<4096x200x128xf32, #tpu.memory_space<hbm>> -> memref<1x100x64xf32, #tpu.memory_space<hbm>>
      %dma_wait3A_627 = tpu.memref_squeeze %dma_wait3A_626 : memref<1x100x64xf32, #tpu.memory_space<hbm>> -> memref<100x64xf32, #tpu.memory_space<hbm>>
      %dma_wait3A_628 = arith.constant 0 : i32
      %dma_wait3A_629 = arith.constant 0 : i32
      %dma_wait3A_630 = tpu.memref_slice %arg6[%dma_wait3A_614, %dma_wait3A_628, %dma_wait3A_629] : memref<8x100x64xf32, #tpu.memory_space<vmem>> -> memref<1x100x64xf32, #tpu.memory_space<vmem>>
      %dma_wait3A_631 = tpu.memref_squeeze %dma_wait3A_630 : memref<1x100x64xf32, #tpu.memory_space<vmem>> -> memref<100x64xf32, #tpu.memory_space<vmem>>
      tpu.wait_dma2 semaphore(%dma_wait3A_624 : memref<!tpu.dma_semaphore, #tpu.memory_space<semaphore_mem>>) src(%dma_wait3A_631 : memref<100x64xf32, #tpu.memory_space<vmem>>) dst(%dma_wait3A_627 : memref<100x64xf32, #tpu.memory_space<hbm>>)
      %add3A_632 = arith.constant 8 : i32
      %add3A_633 = arith.addi %add3A_538, %add3A_632 : i32
      %lt3A_634 = arith.constant 256 : i32
      %lt3A_635 = arith.cmpi slt, %add3A_633, %lt3A_634 : i32
      %convert_element_type3A_636 = arith.extui %lt3A_635 : i1 to i32
      %cond3A_637 = arith.constant 0 : i32
      %cond3A_638 = arith.cmpi ne, %convert_element_type3A_636, %cond3A_637 : i32
      scf.if %cond3A_638 {
        %add3A_951 = arith.constant 8 : i32
        %add3A_952 = arith.addi %add3A_538, %add3A_951 : i32
        %dma_start3A_953 = arith.constant 4 : i32
        %dma_start3A_954 = arith.constant 4 : i32
        %dma_start3A_955 = arith.constant 0 : i32
        %dma_start3A_956 = arith.constant 0 : i32
        %dma_start3A_957 = tpu.memref_slice %arg6[%dma_start3A_953, %dma_start3A_955, %dma_start3A_956] : memref<8x100x64xf32, #tpu.memory_space<vmem>> -> memref<1x100x64xf32, #tpu.memory_space<vmem>>
        %dma_start3A_958 = tpu.memref_squeeze %dma_start3A_957 : memref<1x100x64xf32, #tpu.memory_space<vmem>> -> memref<100x64xf32, #tpu.memory_space<vmem>>
        %dma_start3A_959 = arith.constant 0 : i32
        %dma_start3A_960 = tpu.memref_slice %arg5[%add3A_952, %dma_start3A_959] : memref<256x100xi32, #tpu.memory_space<vmem>> -> memref<1x100xi32, #tpu.memory_space<vmem>>
        %dma_start3A_961 = tpu.memref_squeeze %dma_start3A_960 : memref<1x100xi32, #tpu.memory_space<vmem>> -> memref<100xi32, #tpu.memory_space<vmem>>
        %dma_start3A_962 = arith.constant 0 : i32
        %dma_start3A_963 = arith.constant 0 : i32
        %dma_start3A_964 = tpu.memref_slice %arg7[%dma_start3A_962, %dma_start3A_963] : memref<2048x64xf32, #tpu.memory_space<vmem_shared>> -> memref<2048x64xf32, #tpu.memory_space<vmem_shared>>
        %dma_start3A_965 = tpu.memref_slice %arg8[%dma_start3A_954] : memref<8x!tpu.dma_semaphore, #tpu.memory_space<semaphore_mem>> -> memref<1x!tpu.dma_semaphore, #tpu.memory_space<semaphore_mem>>
        %dma_start3A_966 = tpu.memref_squeeze %dma_start3A_965 : memref<1x!tpu.dma_semaphore, #tpu.memory_space<semaphore_mem>> -> memref<!tpu.dma_semaphore, #tpu.memory_space<semaphore_mem>>
        tpu.enqueue_indirect_dma source(%dma_start3A_964 : memref<2048x64xf32, #tpu.memory_space<vmem_shared>>) target(%dma_start3A_958 : memref<100x64xf32, #tpu.memory_space<vmem>>) offsets(%dma_start3A_961 : memref<100xi32, #tpu.memory_space<vmem>>) semaphore(%dma_start3A_966 : memref<!tpu.dma_semaphore, #tpu.memory_space<semaphore_mem>>)
      } else {
      }
      %mul3A_639 = arith.constant 8 : i32
      %mul3A_640 = arith.muli %scan3A_128, %mul3A_639 : i32
      %add3A_641 = arith.constant 5 : i32
      %add3A_642 = arith.addi %mul3A_640, %add3A_641 : i32
      %dma_wait3A_643 = arith.constant 5 : i32
      %dma_wait3A_644 = arith.constant 5 : i32
      %dma_wait3A_645 = arith.constant 0 : i32
      %dma_wait3A_646 = arith.constant 0 : i32
      %dma_wait3A_647 = tpu.memref_slice %arg6[%dma_wait3A_643, %dma_wait3A_645, %dma_wait3A_646] : memref<8x100x64xf32, #tpu.memory_space<vmem>> -> memref<1x100x64xf32, #tpu.memory_space<vmem>>
      %dma_wait3A_648 = tpu.memref_squeeze %dma_wait3A_647 : memref<1x100x64xf32, #tpu.memory_space<vmem>> -> memref<100x64xf32, #tpu.memory_space<vmem>>
      %dma_wait3A_649 = arith.constant 0 : i32
      %dma_wait3A_650 = tpu.memref_slice %arg5[%add3A_642, %dma_wait3A_649] : memref<256x100xi32, #tpu.memory_space<vmem>> -> memref<1x100xi32, #tpu.memory_space<vmem>>
      %dma_wait3A_651 = tpu.memref_squeeze %dma_wait3A_650 : memref<1x100xi32, #tpu.memory_space<vmem>> -> memref<100xi32, #tpu.memory_space<vmem>>
      %dma_wait3A_652 = arith.constant 0 : i32
      %dma_wait3A_653 = arith.constant 0 : i32
      %dma_wait3A_654 = tpu.memref_slice %arg7[%dma_wait3A_652, %dma_wait3A_653] : memref<2048x64xf32, #tpu.memory_space<vmem_shared>> -> memref<2048x64xf32, #tpu.memory_space<vmem_shared>>
      %dma_wait3A_655 = tpu.memref_slice %arg8[%dma_wait3A_644] : memref<8x!tpu.dma_semaphore, #tpu.memory_space<semaphore_mem>> -> memref<1x!tpu.dma_semaphore, #tpu.memory_space<semaphore_mem>>
      %dma_wait3A_656 = tpu.memref_squeeze %dma_wait3A_655 : memref<1x!tpu.dma_semaphore, #tpu.memory_space<semaphore_mem>> -> memref<!tpu.dma_semaphore, #tpu.memory_space<semaphore_mem>>
      tpu.wait_indirect_dma semaphore(%dma_wait3A_656 : memref<!tpu.dma_semaphore, #tpu.memory_space<semaphore_mem>>) src(%dma_wait3A_654 : memref<2048x64xf32, #tpu.memory_space<vmem_shared>>) dst(%dma_wait3A_648 : memref<100x64xf32, #tpu.memory_space<vmem>>)
      %add3A_657 = arith.addi %mul3A_2, %add3A_642 : i32
      %jit3A_658 = arith.constant 2 : i32
      %div3A_659 = arith.divsi %add3A_657, %jit3A_658 : i32
      %sign3A_660 = arith.constant 0 : i32
      %sign3A_661 = arith.cmpi sgt, %add3A_657, %sign3A_660 : i32
      %sign3A_662 = arith.extui %sign3A_661 : i1 to i32
      %sign3A_663 = arith.constant 0 : i32
      %sign3A_664 = arith.cmpi slt, %add3A_657, %sign3A_663 : i32
      %sign3A_665 = arith.extui %sign3A_664 : i1 to i32
      %sign3A_666 = arith.subi %sign3A_662, %sign3A_665 : i32
      %sign3A_667 = arith.constant 0 : i32
      %sign3A_668 = arith.cmpi sgt, %jit3A_658, %sign3A_667 : i32
      %sign3A_669 = arith.extui %sign3A_668 : i1 to i32
      %sign3A_670 = arith.constant 0 : i32
      %sign3A_671 = arith.cmpi slt, %jit3A_658, %sign3A_670 : i32
      %sign3A_672 = arith.extui %sign3A_671 : i1 to i32
      %sign3A_673 = arith.subi %sign3A_669, %sign3A_672 : i32
      %ne3A_674 = arith.cmpi ne, %sign3A_666, %sign3A_673 : i32
      %rem3A_675 = arith.remsi %add3A_657, %jit3A_658 : i32
      %ne3A_676 = arith.constant 0 : i32
      %ne3A_677 = arith.cmpi ne, %rem3A_675, %ne3A_676 : i32
      %and3A_678 = arith.andi %ne3A_674, %ne3A_677 : i1
      %sub3A_679 = arith.constant 1 : i32
      %sub3A_680 = arith.subi %div3A_659, %sub3A_679 : i32
      %select_n3A_681 = arith.select %and3A_678, %sub3A_680, %div3A_659 : i32
      %jit3A_682 = arith.constant 2 : i32
      %eq3A_683 = arith.constant 0 : i32
      %eq3A_684 = arith.cmpi eq, %jit3A_682, %eq3A_683 : i32
      %jit3A_685 = arith.constant 1 : i32
      %select_n3A_686 = arith.select %eq3A_684, %jit3A_685, %jit3A_682 : i32
      %rem3A_687 = arith.remsi %add3A_657, %select_n3A_686 : i32
      %ne3A_688 = arith.constant 0 : i32
      %ne3A_689 = arith.cmpi ne, %rem3A_687, %ne3A_688 : i32
      %lt3A_690 = arith.constant 0 : i32
      %lt3A_691 = arith.cmpi slt, %rem3A_687, %lt3A_690 : i32
      %lt3A_692 = arith.constant 0 : i32
      %lt3A_693 = arith.cmpi slt, %select_n3A_686, %lt3A_692 : i32
      %ne3A_694 = arith.xori %lt3A_691, %lt3A_693 : i1
      %and3A_695 = arith.andi %ne3A_694, %ne3A_689 : i1
      %add3A_696 = arith.addi %rem3A_687, %select_n3A_686 : i32
      %select_n3A_697 = arith.select %and3A_695, %add3A_696, %rem3A_687 : i32
      %mul3A_698 = arith.constant 100 : i32
      %mul3A_699 = arith.muli %select_n3A_697, %mul3A_698 : i32
      %dma_start3A_700 = arith.constant 5 : i32
      %dma_start3A_701 = arith.constant 5 : i32
      %dma_start3A_702 = arith.constant 0 : i32
      %dma_start3A_703 = arith.constant 0 : i32
      %dma_start3A_704 = tpu.memref_slice %arg6[%dma_start3A_700, %dma_start3A_702, %dma_start3A_703] : memref<8x100x64xf32, #tpu.memory_space<vmem>> -> memref<1x100x64xf32, #tpu.memory_space<vmem>>
      %dma_start3A_705 = tpu.memref_squeeze %dma_start3A_704 : memref<1x100x64xf32, #tpu.memory_space<vmem>> -> memref<100x64xf32, #tpu.memory_space<vmem>>
      %dma_start3A_706 = arith.constant 0 : i32
      %dma_start3A_707 = tpu.memref_slice %arg4[%select_n3A_681, %mul3A_699, %dma_start3A_706] : memref<4096x200x128xf32, #tpu.memory_space<hbm>> -> memref<1x100x64xf32, #tpu.memory_space<hbm>>
      %dma_start3A_708 = tpu.memref_squeeze %dma_start3A_707 : memref<1x100x64xf32, #tpu.memory_space<hbm>> -> memref<100x64xf32, #tpu.memory_space<hbm>>
      %dma_start3A_709 = tpu.memref_slice %arg9[%dma_start3A_701] : memref<8x!tpu.dma_semaphore, #tpu.memory_space<semaphore_mem>> -> memref<1x!tpu.dma_semaphore, #tpu.memory_space<semaphore_mem>>
      %dma_start3A_710 = tpu.memref_squeeze %dma_start3A_709 : memref<1x!tpu.dma_semaphore, #tpu.memory_space<semaphore_mem>> -> memref<!tpu.dma_semaphore, #tpu.memory_space<semaphore_mem>>
      %dma_start3A_711 = arith.constant 0 : i32
      %dma_start3A_712 = tpu.memref_slice %arg4[%select_n3A_681, %mul3A_699, %dma_start3A_711] : memref<4096x200x128xf32, #tpu.memory_space<hbm>> -> memref<1x100x64xf32, #tpu.memory_space<hbm>>
      %dma_start3A_713 = tpu.memref_squeeze %dma_start3A_712 : memref<1x100x64xf32, #tpu.memory_space<hbm>> -> memref<100x64xf32, #tpu.memory_space<hbm>>
      %dma_start3A_714 = arith.constant 0 : i32
      %dma_start3A_715 = arith.constant 0 : i32
      %dma_start3A_716 = tpu.memref_slice %arg6[%dma_start3A_700, %dma_start3A_714, %dma_start3A_715] : memref<8x100x64xf32, #tpu.memory_space<vmem>> -> memref<1x100x64xf32, #tpu.memory_space<vmem>>
      %dma_start3A_717 = tpu.memref_squeeze %dma_start3A_716 : memref<1x100x64xf32, #tpu.memory_space<vmem>> -> memref<100x64xf32, #tpu.memory_space<vmem>>
      tpu.enqueue_dma source(%dma_start3A_717 : memref<100x64xf32, #tpu.memory_space<vmem>>) target(%dma_start3A_713 : memref<100x64xf32, #tpu.memory_space<hbm>>) target_semaphore(%dma_start3A_710 : memref<!tpu.dma_semaphore, #tpu.memory_space<semaphore_mem>>)
      %dma_wait3A_718 = arith.constant 5 : i32
      %dma_wait3A_719 = arith.constant 5 : i32
      %dma_wait3A_720 = arith.constant 0 : i32
      %dma_wait3A_721 = arith.constant 0 : i32
      %dma_wait3A_722 = tpu.memref_slice %arg6[%dma_wait3A_718, %dma_wait3A_720, %dma_wait3A_721] : memref<8x100x64xf32, #tpu.memory_space<vmem>> -> memref<1x100x64xf32, #tpu.memory_space<vmem>>
      %dma_wait3A_723 = tpu.memref_squeeze %dma_wait3A_722 : memref<1x100x64xf32, #tpu.memory_space<vmem>> -> memref<100x64xf32, #tpu.memory_space<vmem>>
      %dma_wait3A_724 = arith.constant 0 : i32
      %dma_wait3A_725 = tpu.memref_slice %arg4[%select_n3A_681, %mul3A_699, %dma_wait3A_724] : memref<4096x200x128xf32, #tpu.memory_space<hbm>> -> memref<1x100x64xf32, #tpu.memory_space<hbm>>
      %dma_wait3A_726 = tpu.memref_squeeze %dma_wait3A_725 : memref<1x100x64xf32, #tpu.memory_space<hbm>> -> memref<100x64xf32, #tpu.memory_space<hbm>>
      %dma_wait3A_727 = tpu.memref_slice %arg9[%dma_wait3A_719] : memref<8x!tpu.dma_semaphore, #tpu.memory_space<semaphore_mem>> -> memref<1x!tpu.dma_semaphore, #tpu.memory_space<semaphore_mem>>
      %dma_wait3A_728 = tpu.memref_squeeze %dma_wait3A_727 : memref<1x!tpu.dma_semaphore, #tpu.memory_space<semaphore_mem>> -> memref<!tpu.dma_semaphore, #tpu.memory_space<semaphore_mem>>
      %dma_wait3A_729 = arith.constant 0 : i32
      %dma_wait3A_730 = tpu.memref_slice %arg4[%select_n3A_681, %mul3A_699, %dma_wait3A_729] : memref<4096x200x128xf32, #tpu.memory_space<hbm>> -> memref<1x100x64xf32, #tpu.memory_space<hbm>>
      %dma_wait3A_731 = tpu.memref_squeeze %dma_wait3A_730 : memref<1x100x64xf32, #tpu.memory_space<hbm>> -> memref<100x64xf32, #tpu.memory_space<hbm>>
      %dma_wait3A_732 = arith.constant 0 : i32
      %dma_wait3A_733 = arith.constant 0 : i32
      %dma_wait3A_734 = tpu.memref_slice %arg6[%dma_wait3A_718, %dma_wait3A_732, %dma_wait3A_733] : memref<8x100x64xf32, #tpu.memory_space<vmem>> -> memref<1x100x64xf32, #tpu.memory_space<vmem>>
      %dma_wait3A_735 = tpu.memref_squeeze %dma_wait3A_734 : memref<1x100x64xf32, #tpu.memory_space<vmem>> -> memref<100x64xf32, #tpu.memory_space<vmem>>
      tpu.wait_dma2 semaphore(%dma_wait3A_728 : memref<!tpu.dma_semaphore, #tpu.memory_space<semaphore_mem>>) src(%dma_wait3A_735 : memref<100x64xf32, #tpu.memory_space<vmem>>) dst(%dma_wait3A_731 : memref<100x64xf32, #tpu.memory_space<hbm>>)
      %add3A_736 = arith.constant 8 : i32
      %add3A_737 = arith.addi %add3A_642, %add3A_736 : i32
      %lt3A_738 = arith.constant 256 : i32
      %lt3A_739 = arith.cmpi slt, %add3A_737, %lt3A_738 : i32
      %convert_element_type3A_740 = arith.extui %lt3A_739 : i1 to i32
      %cond3A_741 = arith.constant 0 : i32
      %cond3A_742 = arith.cmpi ne, %convert_element_type3A_740, %cond3A_741 : i32
      scf.if %cond3A_742 {
        %add3A_951 = arith.constant 8 : i32
        %add3A_952 = arith.addi %add3A_642, %add3A_951 : i32
        %dma_start3A_953 = arith.constant 5 : i32
        %dma_start3A_954 = arith.constant 5 : i32
        %dma_start3A_955 = arith.constant 0 : i32
        %dma_start3A_956 = arith.constant 0 : i32
        %dma_start3A_957 = tpu.memref_slice %arg6[%dma_start3A_953, %dma_start3A_955, %dma_start3A_956] : memref<8x100x64xf32, #tpu.memory_space<vmem>> -> memref<1x100x64xf32, #tpu.memory_space<vmem>>
        %dma_start3A_958 = tpu.memref_squeeze %dma_start3A_957 : memref<1x100x64xf32, #tpu.memory_space<vmem>> -> memref<100x64xf32, #tpu.memory_space<vmem>>
        %dma_start3A_959 = arith.constant 0 : i32
        %dma_start3A_960 = tpu.memref_slice %arg5[%add3A_952, %dma_start3A_959] : memref<256x100xi32, #tpu.memory_space<vmem>> -> memref<1x100xi32, #tpu.memory_space<vmem>>
        %dma_start3A_961 = tpu.memref_squeeze %dma_start3A_960 : memref<1x100xi32, #tpu.memory_space<vmem>> -> memref<100xi32, #tpu.memory_space<vmem>>
        %dma_start3A_962 = arith.constant 0 : i32
        %dma_start3A_963 = arith.constant 0 : i32
        %dma_start3A_964 = tpu.memref_slice %arg7[%dma_start3A_962, %dma_start3A_963] : memref<2048x64xf32, #tpu.memory_space<vmem_shared>> -> memref<2048x64xf32, #tpu.memory_space<vmem_shared>>
        %dma_start3A_965 = tpu.memref_slice %arg8[%dma_start3A_954] : memref<8x!tpu.dma_semaphore, #tpu.memory_space<semaphore_mem>> -> memref<1x!tpu.dma_semaphore, #tpu.memory_space<semaphore_mem>>
        %dma_start3A_966 = tpu.memref_squeeze %dma_start3A_965 : memref<1x!tpu.dma_semaphore, #tpu.memory_space<semaphore_mem>> -> memref<!tpu.dma_semaphore, #tpu.memory_space<semaphore_mem>>
        tpu.enqueue_indirect_dma source(%dma_start3A_964 : memref<2048x64xf32, #tpu.memory_space<vmem_shared>>) target(%dma_start3A_958 : memref<100x64xf32, #tpu.memory_space<vmem>>) offsets(%dma_start3A_961 : memref<100xi32, #tpu.memory_space<vmem>>) semaphore(%dma_start3A_966 : memref<!tpu.dma_semaphore, #tpu.memory_space<semaphore_mem>>)
      } else {
      }
      %mul3A_743 = arith.constant 8 : i32
      %mul3A_744 = arith.muli %scan3A_128, %mul3A_743 : i32
      %add3A_745 = arith.constant 6 : i32
      %add3A_746 = arith.addi %mul3A_744, %add3A_745 : i32
      %dma_wait3A_747 = arith.constant 6 : i32
      %dma_wait3A_748 = arith.constant 6 : i32
      %dma_wait3A_749 = arith.constant 0 : i32
      %dma_wait3A_750 = arith.constant 0 : i32
      %dma_wait3A_751 = tpu.memref_slice %arg6[%dma_wait3A_747, %dma_wait3A_749, %dma_wait3A_750] : memref<8x100x64xf32, #tpu.memory_space<vmem>> -> memref<1x100x64xf32, #tpu.memory_space<vmem>>
      %dma_wait3A_752 = tpu.memref_squeeze %dma_wait3A_751 : memref<1x100x64xf32, #tpu.memory_space<vmem>> -> memref<100x64xf32, #tpu.memory_space<vmem>>
      %dma_wait3A_753 = arith.constant 0 : i32
      %dma_wait3A_754 = tpu.memref_slice %arg5[%add3A_746, %dma_wait3A_753] : memref<256x100xi32, #tpu.memory_space<vmem>> -> memref<1x100xi32, #tpu.memory_space<vmem>>
      %dma_wait3A_755 = tpu.memref_squeeze %dma_wait3A_754 : memref<1x100xi32, #tpu.memory_space<vmem>> -> memref<100xi32, #tpu.memory_space<vmem>>
      %dma_wait3A_756 = arith.constant 0 : i32
      %dma_wait3A_757 = arith.constant 0 : i32
      %dma_wait3A_758 = tpu.memref_slice %arg7[%dma_wait3A_756, %dma_wait3A_757] : memref<2048x64xf32, #tpu.memory_space<vmem_shared>> -> memref<2048x64xf32, #tpu.memory_space<vmem_shared>>
      %dma_wait3A_759 = tpu.memref_slice %arg8[%dma_wait3A_748] : memref<8x!tpu.dma_semaphore, #tpu.memory_space<semaphore_mem>> -> memref<1x!tpu.dma_semaphore, #tpu.memory_space<semaphore_mem>>
      %dma_wait3A_760 = tpu.memref_squeeze %dma_wait3A_759 : memref<1x!tpu.dma_semaphore, #tpu.memory_space<semaphore_mem>> -> memref<!tpu.dma_semaphore, #tpu.memory_space<semaphore_mem>>
      tpu.wait_indirect_dma semaphore(%dma_wait3A_760 : memref<!tpu.dma_semaphore, #tpu.memory_space<semaphore_mem>>) src(%dma_wait3A_758 : memref<2048x64xf32, #tpu.memory_space<vmem_shared>>) dst(%dma_wait3A_752 : memref<100x64xf32, #tpu.memory_space<vmem>>)
      %add3A_761 = arith.addi %mul3A_2, %add3A_746 : i32
      %jit3A_762 = arith.constant 2 : i32
      %div3A_763 = arith.divsi %add3A_761, %jit3A_762 : i32
      %sign3A_764 = arith.constant 0 : i32
      %sign3A_765 = arith.cmpi sgt, %add3A_761, %sign3A_764 : i32
      %sign3A_766 = arith.extui %sign3A_765 : i1 to i32
      %sign3A_767 = arith.constant 0 : i32
      %sign3A_768 = arith.cmpi slt, %add3A_761, %sign3A_767 : i32
      %sign3A_769 = arith.extui %sign3A_768 : i1 to i32
      %sign3A_770 = arith.subi %sign3A_766, %sign3A_769 : i32
      %sign3A_771 = arith.constant 0 : i32
      %sign3A_772 = arith.cmpi sgt, %jit3A_762, %sign3A_771 : i32
      %sign3A_773 = arith.extui %sign3A_772 : i1 to i32
      %sign3A_774 = arith.constant 0 : i32
      %sign3A_775 = arith.cmpi slt, %jit3A_762, %sign3A_774 : i32
      %sign3A_776 = arith.extui %sign3A_775 : i1 to i32
      %sign3A_777 = arith.subi %sign3A_773, %sign3A_776 : i32
      %ne3A_778 = arith.cmpi ne, %sign3A_770, %sign3A_777 : i32
      %rem3A_779 = arith.remsi %add3A_761, %jit3A_762 : i32
      %ne3A_780 = arith.constant 0 : i32
      %ne3A_781 = arith.cmpi ne, %rem3A_779, %ne3A_780 : i32
      %and3A_782 = arith.andi %ne3A_778, %ne3A_781 : i1
      %sub3A_783 = arith.constant 1 : i32
      %sub3A_784 = arith.subi %div3A_763, %sub3A_783 : i32
      %select_n3A_785 = arith.select %and3A_782, %sub3A_784, %div3A_763 : i32
      %jit3A_786 = arith.constant 2 : i32
      %eq3A_787 = arith.constant 0 : i32
      %eq3A_788 = arith.cmpi eq, %jit3A_786, %eq3A_787 : i32
      %jit3A_789 = arith.constant 1 : i32
      %select_n3A_790 = arith.select %eq3A_788, %jit3A_789, %jit3A_786 : i32
      %rem3A_791 = arith.remsi %add3A_761, %select_n3A_790 : i32
      %ne3A_792 = arith.constant 0 : i32
      %ne3A_793 = arith.cmpi ne, %rem3A_791, %ne3A_792 : i32
      %lt3A_794 = arith.constant 0 : i32
      %lt3A_795 = arith.cmpi slt, %rem3A_791, %lt3A_794 : i32
      %lt3A_796 = arith.constant 0 : i32
      %lt3A_797 = arith.cmpi slt, %select_n3A_790, %lt3A_796 : i32
      %ne3A_798 = arith.xori %lt3A_795, %lt3A_797 : i1
      %and3A_799 = arith.andi %ne3A_798, %ne3A_793 : i1
      %add3A_800 = arith.addi %rem3A_791, %select_n3A_790 : i32
      %select_n3A_801 = arith.select %and3A_799, %add3A_800, %rem3A_791 : i32
      %mul3A_802 = arith.constant 100 : i32
      %mul3A_803 = arith.muli %select_n3A_801, %mul3A_802 : i32
      %dma_start3A_804 = arith.constant 6 : i32
      %dma_start3A_805 = arith.constant 6 : i32
      %dma_start3A_806 = arith.constant 0 : i32
      %dma_start3A_807 = arith.constant 0 : i32
      %dma_start3A_808 = tpu.memref_slice %arg6[%dma_start3A_804, %dma_start3A_806, %dma_start3A_807] : memref<8x100x64xf32, #tpu.memory_space<vmem>> -> memref<1x100x64xf32, #tpu.memory_space<vmem>>
      %dma_start3A_809 = tpu.memref_squeeze %dma_start3A_808 : memref<1x100x64xf32, #tpu.memory_space<vmem>> -> memref<100x64xf32, #tpu.memory_space<vmem>>
      %dma_start3A_810 = arith.constant 0 : i32
      %dma_start3A_811 = tpu.memref_slice %arg4[%select_n3A_785, %mul3A_803, %dma_start3A_810] : memref<4096x200x128xf32, #tpu.memory_space<hbm>> -> memref<1x100x64xf32, #tpu.memory_space<hbm>>
      %dma_start3A_812 = tpu.memref_squeeze %dma_start3A_811 : memref<1x100x64xf32, #tpu.memory_space<hbm>> -> memref<100x64xf32, #tpu.memory_space<hbm>>
      %dma_start3A_813 = tpu.memref_slice %arg9[%dma_start3A_805] : memref<8x!tpu.dma_semaphore, #tpu.memory_space<semaphore_mem>> -> memref<1x!tpu.dma_semaphore, #tpu.memory_space<semaphore_mem>>
      %dma_start3A_814 = tpu.memref_squeeze %dma_start3A_813 : memref<1x!tpu.dma_semaphore, #tpu.memory_space<semaphore_mem>> -> memref<!tpu.dma_semaphore, #tpu.memory_space<semaphore_mem>>
      %dma_start3A_815 = arith.constant 0 : i32
      %dma_start3A_816 = tpu.memref_slice %arg4[%select_n3A_785, %mul3A_803, %dma_start3A_815] : memref<4096x200x128xf32, #tpu.memory_space<hbm>> -> memref<1x100x64xf32, #tpu.memory_space<hbm>>
      %dma_start3A_817 = tpu.memref_squeeze %dma_start3A_816 : memref<1x100x64xf32, #tpu.memory_space<hbm>> -> memref<100x64xf32, #tpu.memory_space<hbm>>
      %dma_start3A_818 = arith.constant 0 : i32
      %dma_start3A_819 = arith.constant 0 : i32
      %dma_start3A_820 = tpu.memref_slice %arg6[%dma_start3A_804, %dma_start3A_818, %dma_start3A_819] : memref<8x100x64xf32, #tpu.memory_space<vmem>> -> memref<1x100x64xf32, #tpu.memory_space<vmem>>
      %dma_start3A_821 = tpu.memref_squeeze %dma_start3A_820 : memref<1x100x64xf32, #tpu.memory_space<vmem>> -> memref<100x64xf32, #tpu.memory_space<vmem>>
      tpu.enqueue_dma source(%dma_start3A_821 : memref<100x64xf32, #tpu.memory_space<vmem>>) target(%dma_start3A_817 : memref<100x64xf32, #tpu.memory_space<hbm>>) target_semaphore(%dma_start3A_814 : memref<!tpu.dma_semaphore, #tpu.memory_space<semaphore_mem>>)
      %dma_wait3A_822 = arith.constant 6 : i32
      %dma_wait3A_823 = arith.constant 6 : i32
      %dma_wait3A_824 = arith.constant 0 : i32
      %dma_wait3A_825 = arith.constant 0 : i32
      %dma_wait3A_826 = tpu.memref_slice %arg6[%dma_wait3A_822, %dma_wait3A_824, %dma_wait3A_825] : memref<8x100x64xf32, #tpu.memory_space<vmem>> -> memref<1x100x64xf32, #tpu.memory_space<vmem>>
      %dma_wait3A_827 = tpu.memref_squeeze %dma_wait3A_826 : memref<1x100x64xf32, #tpu.memory_space<vmem>> -> memref<100x64xf32, #tpu.memory_space<vmem>>
      %dma_wait3A_828 = arith.constant 0 : i32
      %dma_wait3A_829 = tpu.memref_slice %arg4[%select_n3A_785, %mul3A_803, %dma_wait3A_828] : memref<4096x200x128xf32, #tpu.memory_space<hbm>> -> memref<1x100x64xf32, #tpu.memory_space<hbm>>
      %dma_wait3A_830 = tpu.memref_squeeze %dma_wait3A_829 : memref<1x100x64xf32, #tpu.memory_space<hbm>> -> memref<100x64xf32, #tpu.memory_space<hbm>>
      %dma_wait3A_831 = tpu.memref_slice %arg9[%dma_wait3A_823] : memref<8x!tpu.dma_semaphore, #tpu.memory_space<semaphore_mem>> -> memref<1x!tpu.dma_semaphore, #tpu.memory_space<semaphore_mem>>
      %dma_wait3A_832 = tpu.memref_squeeze %dma_wait3A_831 : memref<1x!tpu.dma_semaphore, #tpu.memory_space<semaphore_mem>> -> memref<!tpu.dma_semaphore, #tpu.memory_space<semaphore_mem>>
      %dma_wait3A_833 = arith.constant 0 : i32
      %dma_wait3A_834 = tpu.memref_slice %arg4[%select_n3A_785, %mul3A_803, %dma_wait3A_833] : memref<4096x200x128xf32, #tpu.memory_space<hbm>> -> memref<1x100x64xf32, #tpu.memory_space<hbm>>
      %dma_wait3A_835 = tpu.memref_squeeze %dma_wait3A_834 : memref<1x100x64xf32, #tpu.memory_space<hbm>> -> memref<100x64xf32, #tpu.memory_space<hbm>>
      %dma_wait3A_836 = arith.constant 0 : i32
      %dma_wait3A_837 = arith.constant 0 : i32
      %dma_wait3A_838 = tpu.memref_slice %arg6[%dma_wait3A_822, %dma_wait3A_836, %dma_wait3A_837] : memref<8x100x64xf32, #tpu.memory_space<vmem>> -> memref<1x100x64xf32, #tpu.memory_space<vmem>>
      %dma_wait3A_839 = tpu.memref_squeeze %dma_wait3A_838 : memref<1x100x64xf32, #tpu.memory_space<vmem>> -> memref<100x64xf32, #tpu.memory_space<vmem>>
      tpu.wait_dma2 semaphore(%dma_wait3A_832 : memref<!tpu.dma_semaphore, #tpu.memory_space<semaphore_mem>>) src(%dma_wait3A_839 : memref<100x64xf32, #tpu.memory_space<vmem>>) dst(%dma_wait3A_835 : memref<100x64xf32, #tpu.memory_space<hbm>>)
      %add3A_840 = arith.constant 8 : i32
      %add3A_841 = arith.addi %add3A_746, %add3A_840 : i32
      %lt3A_842 = arith.constant 256 : i32
      %lt3A_843 = arith.cmpi slt, %add3A_841, %lt3A_842 : i32
      %convert_element_type3A_844 = arith.extui %lt3A_843 : i1 to i32
      %cond3A_845 = arith.constant 0 : i32
      %cond3A_846 = arith.cmpi ne, %convert_element_type3A_844, %cond3A_845 : i32
      scf.if %cond3A_846 {
        %add3A_951 = arith.constant 8 : i32
        %add3A_952 = arith.addi %add3A_746, %add3A_951 : i32
        %dma_start3A_953 = arith.constant 6 : i32
        %dma_start3A_954 = arith.constant 6 : i32
        %dma_start3A_955 = arith.constant 0 : i32
        %dma_start3A_956 = arith.constant 0 : i32
        %dma_start3A_957 = tpu.memref_slice %arg6[%dma_start3A_953, %dma_start3A_955, %dma_start3A_956] : memref<8x100x64xf32, #tpu.memory_space<vmem>> -> memref<1x100x64xf32, #tpu.memory_space<vmem>>
        %dma_start3A_958 = tpu.memref_squeeze %dma_start3A_957 : memref<1x100x64xf32, #tpu.memory_space<vmem>> -> memref<100x64xf32, #tpu.memory_space<vmem>>
        %dma_start3A_959 = arith.constant 0 : i32
        %dma_start3A_960 = tpu.memref_slice %arg5[%add3A_952, %dma_start3A_959] : memref<256x100xi32, #tpu.memory_space<vmem>> -> memref<1x100xi32, #tpu.memory_space<vmem>>
        %dma_start3A_961 = tpu.memref_squeeze %dma_start3A_960 : memref<1x100xi32, #tpu.memory_space<vmem>> -> memref<100xi32, #tpu.memory_space<vmem>>
        %dma_start3A_962 = arith.constant 0 : i32
        %dma_start3A_963 = arith.constant 0 : i32
        %dma_start3A_964 = tpu.memref_slice %arg7[%dma_start3A_962, %dma_start3A_963] : memref<2048x64xf32, #tpu.memory_space<vmem_shared>> -> memref<2048x64xf32, #tpu.memory_space<vmem_shared>>
        %dma_start3A_965 = tpu.memref_slice %arg8[%dma_start3A_954] : memref<8x!tpu.dma_semaphore, #tpu.memory_space<semaphore_mem>> -> memref<1x!tpu.dma_semaphore, #tpu.memory_space<semaphore_mem>>
        %dma_start3A_966 = tpu.memref_squeeze %dma_start3A_965 : memref<1x!tpu.dma_semaphore, #tpu.memory_space<semaphore_mem>> -> memref<!tpu.dma_semaphore, #tpu.memory_space<semaphore_mem>>
        tpu.enqueue_indirect_dma source(%dma_start3A_964 : memref<2048x64xf32, #tpu.memory_space<vmem_shared>>) target(%dma_start3A_958 : memref<100x64xf32, #tpu.memory_space<vmem>>) offsets(%dma_start3A_961 : memref<100xi32, #tpu.memory_space<vmem>>) semaphore(%dma_start3A_966 : memref<!tpu.dma_semaphore, #tpu.memory_space<semaphore_mem>>)
      } else {
      }
      %mul3A_847 = arith.constant 8 : i32
      %mul3A_848 = arith.muli %scan3A_128, %mul3A_847 : i32
      %add3A_849 = arith.constant 7 : i32
      %add3A_850 = arith.addi %mul3A_848, %add3A_849 : i32
      %dma_wait3A_851 = arith.constant 7 : i32
      %dma_wait3A_852 = arith.constant 7 : i32
      %dma_wait3A_853 = arith.constant 0 : i32
      %dma_wait3A_854 = arith.constant 0 : i32
      %dma_wait3A_855 = tpu.memref_slice %arg6[%dma_wait3A_851, %dma_wait3A_853, %dma_wait3A_854] : memref<8x100x64xf32, #tpu.memory_space<vmem>> -> memref<1x100x64xf32, #tpu.memory_space<vmem>>
      %dma_wait3A_856 = tpu.memref_squeeze %dma_wait3A_855 : memref<1x100x64xf32, #tpu.memory_space<vmem>> -> memref<100x64xf32, #tpu.memory_space<vmem>>
      %dma_wait3A_857 = arith.constant 0 : i32
      %dma_wait3A_858 = tpu.memref_slice %arg5[%add3A_850, %dma_wait3A_857] : memref<256x100xi32, #tpu.memory_space<vmem>> -> memref<1x100xi32, #tpu.memory_space<vmem>>
      %dma_wait3A_859 = tpu.memref_squeeze %dma_wait3A_858 : memref<1x100xi32, #tpu.memory_space<vmem>> -> memref<100xi32, #tpu.memory_space<vmem>>
      %dma_wait3A_860 = arith.constant 0 : i32
      %dma_wait3A_861 = arith.constant 0 : i32
      %dma_wait3A_862 = tpu.memref_slice %arg7[%dma_wait3A_860, %dma_wait3A_861] : memref<2048x64xf32, #tpu.memory_space<vmem_shared>> -> memref<2048x64xf32, #tpu.memory_space<vmem_shared>>
      %dma_wait3A_863 = tpu.memref_slice %arg8[%dma_wait3A_852] : memref<8x!tpu.dma_semaphore, #tpu.memory_space<semaphore_mem>> -> memref<1x!tpu.dma_semaphore, #tpu.memory_space<semaphore_mem>>
      %dma_wait3A_864 = tpu.memref_squeeze %dma_wait3A_863 : memref<1x!tpu.dma_semaphore, #tpu.memory_space<semaphore_mem>> -> memref<!tpu.dma_semaphore, #tpu.memory_space<semaphore_mem>>
      tpu.wait_indirect_dma semaphore(%dma_wait3A_864 : memref<!tpu.dma_semaphore, #tpu.memory_space<semaphore_mem>>) src(%dma_wait3A_862 : memref<2048x64xf32, #tpu.memory_space<vmem_shared>>) dst(%dma_wait3A_856 : memref<100x64xf32, #tpu.memory_space<vmem>>)
      %add3A_865 = arith.addi %mul3A_2, %add3A_850 : i32
      %jit3A_866 = arith.constant 2 : i32
      %div3A_867 = arith.divsi %add3A_865, %jit3A_866 : i32
      %sign3A_868 = arith.constant 0 : i32
      %sign3A_869 = arith.cmpi sgt, %add3A_865, %sign3A_868 : i32
      %sign3A_870 = arith.extui %sign3A_869 : i1 to i32
      %sign3A_871 = arith.constant 0 : i32
      %sign3A_872 = arith.cmpi slt, %add3A_865, %sign3A_871 : i32
      %sign3A_873 = arith.extui %sign3A_872 : i1 to i32
      %sign3A_874 = arith.subi %sign3A_870, %sign3A_873 : i32
      %sign3A_875 = arith.constant 0 : i32
      %sign3A_876 = arith.cmpi sgt, %jit3A_866, %sign3A_875 : i32
      %sign3A_877 = arith.extui %sign3A_876 : i1 to i32
      %sign3A_878 = arith.constant 0 : i32
      %sign3A_879 = arith.cmpi slt, %jit3A_866, %sign3A_878 : i32
      %sign3A_880 = arith.extui %sign3A_879 : i1 to i32
      %sign3A_881 = arith.subi %sign3A_877, %sign3A_880 : i32
      %ne3A_882 = arith.cmpi ne, %sign3A_874, %sign3A_881 : i32
      %rem3A_883 = arith.remsi %add3A_865, %jit3A_866 : i32
      %ne3A_884 = arith.constant 0 : i32
      %ne3A_885 = arith.cmpi ne, %rem3A_883, %ne3A_884 : i32
      %and3A_886 = arith.andi %ne3A_882, %ne3A_885 : i1
      %sub3A_887 = arith.constant 1 : i32
      %sub3A_888 = arith.subi %div3A_867, %sub3A_887 : i32
      %select_n3A_889 = arith.select %and3A_886, %sub3A_888, %div3A_867 : i32
      %jit3A_890 = arith.constant 2 : i32
      %eq3A_891 = arith.constant 0 : i32
      %eq3A_892 = arith.cmpi eq, %jit3A_890, %eq3A_891 : i32
      %jit3A_893 = arith.constant 1 : i32
      %select_n3A_894 = arith.select %eq3A_892, %jit3A_893, %jit3A_890 : i32
      %rem3A_895 = arith.remsi %add3A_865, %select_n3A_894 : i32
      %ne3A_896 = arith.constant 0 : i32
      %ne3A_897 = arith.cmpi ne, %rem3A_895, %ne3A_896 : i32
      %lt3A_898 = arith.constant 0 : i32
      %lt3A_899 = arith.cmpi slt, %rem3A_895, %lt3A_898 : i32
      %lt3A_900 = arith.constant 0 : i32
      %lt3A_901 = arith.cmpi slt, %select_n3A_894, %lt3A_900 : i32
      %ne3A_902 = arith.xori %lt3A_899, %lt3A_901 : i1
      %and3A_903 = arith.andi %ne3A_902, %ne3A_897 : i1
      %add3A_904 = arith.addi %rem3A_895, %select_n3A_894 : i32
      %select_n3A_905 = arith.select %and3A_903, %add3A_904, %rem3A_895 : i32
      %mul3A_906 = arith.constant 100 : i32
      %mul3A_907 = arith.muli %select_n3A_905, %mul3A_906 : i32
      %dma_start3A_908 = arith.constant 7 : i32
      %dma_start3A_909 = arith.constant 7 : i32
      %dma_start3A_910 = arith.constant 0 : i32
      %dma_start3A_911 = arith.constant 0 : i32
      %dma_start3A_912 = tpu.memref_slice %arg6[%dma_start3A_908, %dma_start3A_910, %dma_start3A_911] : memref<8x100x64xf32, #tpu.memory_space<vmem>> -> memref<1x100x64xf32, #tpu.memory_space<vmem>>
      %dma_start3A_913 = tpu.memref_squeeze %dma_start3A_912 : memref<1x100x64xf32, #tpu.memory_space<vmem>> -> memref<100x64xf32, #tpu.memory_space<vmem>>
      %dma_start3A_914 = arith.constant 0 : i32
      %dma_start3A_915 = tpu.memref_slice %arg4[%select_n3A_889, %mul3A_907, %dma_start3A_914] : memref<4096x200x128xf32, #tpu.memory_space<hbm>> -> memref<1x100x64xf32, #tpu.memory_space<hbm>>
      %dma_start3A_916 = tpu.memref_squeeze %dma_start3A_915 : memref<1x100x64xf32, #tpu.memory_space<hbm>> -> memref<100x64xf32, #tpu.memory_space<hbm>>
      %dma_start3A_917 = tpu.memref_slice %arg9[%dma_start3A_909] : memref<8x!tpu.dma_semaphore, #tpu.memory_space<semaphore_mem>> -> memref<1x!tpu.dma_semaphore, #tpu.memory_space<semaphore_mem>>
      %dma_start3A_918 = tpu.memref_squeeze %dma_start3A_917 : memref<1x!tpu.dma_semaphore, #tpu.memory_space<semaphore_mem>> -> memref<!tpu.dma_semaphore, #tpu.memory_space<semaphore_mem>>
      %dma_start3A_919 = arith.constant 0 : i32
      %dma_start3A_920 = tpu.memref_slice %arg4[%select_n3A_889, %mul3A_907, %dma_start3A_919] : memref<4096x200x128xf32, #tpu.memory_space<hbm>> -> memref<1x100x64xf32, #tpu.memory_space<hbm>>
      %dma_start3A_921 = tpu.memref_squeeze %dma_start3A_920 : memref<1x100x64xf32, #tpu.memory_space<hbm>> -> memref<100x64xf32, #tpu.memory_space<hbm>>
      %dma_start3A_922 = arith.constant 0 : i32
      %dma_start3A_923 = arith.constant 0 : i32
      %dma_start3A_924 = tpu.memref_slice %arg6[%dma_start3A_908, %dma_start3A_922, %dma_start3A_923] : memref<8x100x64xf32, #tpu.memory_space<vmem>> -> memref<1x100x64xf32, #tpu.memory_space<vmem>>
      %dma_start3A_925 = tpu.memref_squeeze %dma_start3A_924 : memref<1x100x64xf32, #tpu.memory_space<vmem>> -> memref<100x64xf32, #tpu.memory_space<vmem>>
      tpu.enqueue_dma source(%dma_start3A_925 : memref<100x64xf32, #tpu.memory_space<vmem>>) target(%dma_start3A_921 : memref<100x64xf32, #tpu.memory_space<hbm>>) target_semaphore(%dma_start3A_918 : memref<!tpu.dma_semaphore, #tpu.memory_space<semaphore_mem>>)
      %dma_wait3A_926 = arith.constant 7 : i32
      %dma_wait3A_927 = arith.constant 7 : i32
      %dma_wait3A_928 = arith.constant 0 : i32
      %dma_wait3A_929 = arith.constant 0 : i32
      %dma_wait3A_930 = tpu.memref_slice %arg6[%dma_wait3A_926, %dma_wait3A_928, %dma_wait3A_929] : memref<8x100x64xf32, #tpu.memory_space<vmem>> -> memref<1x100x64xf32, #tpu.memory_space<vmem>>
      %dma_wait3A_931 = tpu.memref_squeeze %dma_wait3A_930 : memref<1x100x64xf32, #tpu.memory_space<vmem>> -> memref<100x64xf32, #tpu.memory_space<vmem>>
      %dma_wait3A_932 = arith.constant 0 : i32
      %dma_wait3A_933 = tpu.memref_slice %arg4[%select_n3A_889, %mul3A_907, %dma_wait3A_932] : memref<4096x200x128xf32, #tpu.memory_space<hbm>> -> memref<1x100x64xf32, #tpu.memory_space<hbm>>
      %dma_wait3A_934 = tpu.memref_squeeze %dma_wait3A_933 : memref<1x100x64xf32, #tpu.memory_space<hbm>> -> memref<100x64xf32, #tpu.memory_space<hbm>>
      %dma_wait3A_935 = tpu.memref_slice %arg9[%dma_wait3A_927] : memref<8x!tpu.dma_semaphore, #tpu.memory_space<semaphore_mem>> -> memref<1x!tpu.dma_semaphore, #tpu.memory_space<semaphore_mem>>
      %dma_wait3A_936 = tpu.memref_squeeze %dma_wait3A_935 : memref<1x!tpu.dma_semaphore, #tpu.memory_space<semaphore_mem>> -> memref<!tpu.dma_semaphore, #tpu.memory_space<semaphore_mem>>
      %dma_wait3A_937 = arith.constant 0 : i32
      %dma_wait3A_938 = tpu.memref_slice %arg4[%select_n3A_889, %mul3A_907, %dma_wait3A_937] : memref<4096x200x128xf32, #tpu.memory_space<hbm>> -> memref<1x100x64xf32, #tpu.memory_space<hbm>>
      %dma_wait3A_939 = tpu.memref_squeeze %dma_wait3A_938 : memref<1x100x64xf32, #tpu.memory_space<hbm>> -> memref<100x64xf32, #tpu.memory_space<hbm>>
      %dma_wait3A_940 = arith.constant 0 : i32
      %dma_wait3A_941 = arith.constant 0 : i32
      %dma_wait3A_942 = tpu.memref_slice %arg6[%dma_wait3A_926, %dma_wait3A_940, %dma_wait3A_941] : memref<8x100x64xf32, #tpu.memory_space<vmem>> -> memref<1x100x64xf32, #tpu.memory_space<vmem>>
      %dma_wait3A_943 = tpu.memref_squeeze %dma_wait3A_942 : memref<1x100x64xf32, #tpu.memory_space<vmem>> -> memref<100x64xf32, #tpu.memory_space<vmem>>
      tpu.wait_dma2 semaphore(%dma_wait3A_936 : memref<!tpu.dma_semaphore, #tpu.memory_space<semaphore_mem>>) src(%dma_wait3A_943 : memref<100x64xf32, #tpu.memory_space<vmem>>) dst(%dma_wait3A_939 : memref<100x64xf32, #tpu.memory_space<hbm>>)
      %add3A_944 = arith.constant 8 : i32
      %add3A_945 = arith.addi %add3A_850, %add3A_944 : i32
      %lt3A_946 = arith.constant 256 : i32
      %lt3A_947 = arith.cmpi slt, %add3A_945, %lt3A_946 : i32
      %convert_element_type3A_948 = arith.extui %lt3A_947 : i1 to i32
      %cond3A_949 = arith.constant 0 : i32
      %cond3A_950 = arith.cmpi ne, %convert_element_type3A_948, %cond3A_949 : i32
      scf.if %cond3A_950 {
        %add3A_951 = arith.constant 8 : i32
        %add3A_952 = arith.addi %add3A_850, %add3A_951 : i32
        %dma_start3A_953 = arith.constant 7 : i32
        %dma_start3A_954 = arith.constant 7 : i32
        %dma_start3A_955 = arith.constant 0 : i32
        %dma_start3A_956 = arith.constant 0 : i32
        %dma_start3A_957 = tpu.memref_slice %arg6[%dma_start3A_953, %dma_start3A_955, %dma_start3A_956] : memref<8x100x64xf32, #tpu.memory_space<vmem>> -> memref<1x100x64xf32, #tpu.memory_space<vmem>>
        %dma_start3A_958 = tpu.memref_squeeze %dma_start3A_957 : memref<1x100x64xf32, #tpu.memory_space<vmem>> -> memref<100x64xf32, #tpu.memory_space<vmem>>
        %dma_start3A_959 = arith.constant 0 : i32
        %dma_start3A_960 = tpu.memref_slice %arg5[%add3A_952, %dma_start3A_959] : memref<256x100xi32, #tpu.memory_space<vmem>> -> memref<1x100xi32, #tpu.memory_space<vmem>>
        %dma_start3A_961 = tpu.memref_squeeze %dma_start3A_960 : memref<1x100xi32, #tpu.memory_space<vmem>> -> memref<100xi32, #tpu.memory_space<vmem>>
        %dma_start3A_962 = arith.constant 0 : i32
        %dma_start3A_963 = arith.constant 0 : i32
        %dma_start3A_964 = tpu.memref_slice %arg7[%dma_start3A_962, %dma_start3A_963] : memref<2048x64xf32, #tpu.memory_space<vmem_shared>> -> memref<2048x64xf32, #tpu.memory_space<vmem_shared>>
        %dma_start3A_965 = tpu.memref_slice %arg8[%dma_start3A_954] : memref<8x!tpu.dma_semaphore, #tpu.memory_space<semaphore_mem>> -> memref<1x!tpu.dma_semaphore, #tpu.memory_space<semaphore_mem>>
        %dma_start3A_966 = tpu.memref_squeeze %dma_start3A_965 : memref<1x!tpu.dma_semaphore, #tpu.memory_space<semaphore_mem>> -> memref<!tpu.dma_semaphore, #tpu.memory_space<semaphore_mem>>
        tpu.enqueue_indirect_dma source(%dma_start3A_964 : memref<2048x64xf32, #tpu.memory_space<vmem_shared>>) target(%dma_start3A_958 : memref<100x64xf32, #tpu.memory_space<vmem>>) offsets(%dma_start3A_961 : memref<100xi32, #tpu.memory_space<vmem>>) semaphore(%dma_start3A_966 : memref<!tpu.dma_semaphore, #tpu.memory_space<semaphore_mem>>)
      } else {
      }
    }
    %scan3A_127 = arith.constant 32 : i32
    return
  }
}

</mosaic_0001>

<sc_bundles>
// kernel: kernel.3.cloned.1.call-start
scs
__scs_entry_jumppad:
0x0: {  	(pc) =	sbr.rel $0x88, $3  }
0x1: {  	(tag) =	ssettag $0x0;
	lr =	simm.s32 $0x1  }
0x2: {  	[smem:$0x3F9F] =	sst lr;
	_ =	strace $0xD0000000  }
0x3: {  	_ = 	snop  }
0x4: {  	_ = 	snop  }
0x5: {  	_ = 	snop  }
0x6: {  	_ = 	snop  }
0x7: {  	_ = 	snop  }
__scs_overlays_trampoline_lowered:
0x8: {  	[smem:$0x3FAE] =	sst s0  }
0x9: {  	[smem:$0x3FAF] =	sst s1  }
0xa: {  	[smem:$0x3FB0] =	sst s2  }
0xb: {  	[smem:$0x3FB1] =	sst s3  }
0xc: {  	[smem:$0x3FB2] =	sst s4  }
0xd: {  	[smem:$0x3FB3] =	sst s5  }
0xe: {  	[smem:$0x3FB4] =	sst s6  }
0xf: {  	[smem:$0x3FB5] =	sst s7  }
0x10: {  	[smem:$0x3FB6] =	sst s8  }
0x11: {  	[smem:$0x3FB7] =	sst s9;
	s0 =	simm.s32 @!p0 $0x0  }
0x12: {  	s1 =	sld [smem:$0x3F9D];
	s0 =	simm.s32 @p0 $0x1  }
0x13: {  	[smem:$0x3FB8] =	sst s0;
	s0 =	simm.s32 @!p1 $0x0  }
0x14: {  	s2 =	sld [smem:$0x3F9C];
	s0 =	simm.s32 @p1 $0x1  }
0x15: {  	[smem:$0x3FB9] =	sst s0;
	s0 =	simm.s32 @!p2 $0x0  }
0x16: {  	s3 =	sld [smem:$0x3FDB];
	s0 =	simm.s32 @p2 $0x1  }
0x17: {  	s4 =	simm.s32 $0x1BF5;
	[smem:$0x3FBB] =	sst s0  }
0x18: {  	s0 =	sld [smem:$0x3F9E];
	_ =	swait.ge [sflag:s4], $0x0  }
0x19: {  	s7 =	sld [smem:$0x3F9F]  }
0x1a: {  	s8 =	sadd.s32 $0xFFFFE003, lr  }
0x1b: {  	s9 =	sadd.s32 $0xFFFFFEF7, lr;
	s5 =	simm.s32 $0xFFFFFFFF;
	p2 =	slt.u32 s8, $0xFFFFF086  }
0x1c: {  	p1 =	slt.u32 s9, $0xF7A;
	s5 =	simm.s32 @!p2 $0x0  }
0x1d: {  	s5 =	simm.s32 @p1 $0x1;
	p0 =	seq.s32 s7, s2  }
0x1e: {  	s7 =	smul.u32 @!p0 $0xF7A, s2;
	p2 =	seq.s32 @!p0 s5, $0x0  }
0x1f: {  	s9 =	smul.u32 $0xF7A, s1;
	s8 =	simm.s32 @!p0 $0x1BF5;
	p2 =	por !p2, p0  }
0x20: {  	[sflag:s8] =	ssyncset.s32 @!p0 $0xFFFFF086;
	s6 =	sadd.s32 @!p0 s3, s7;
	s7 =	simm.s32 @!p0 $0x108  }
0x21: {  	s3 =	sadd.s32 s3, s9;
	s6 =	sadd.s32 @!p0 $0x88, s6;
	s7 =	simm.s32 @p2 $0x1082  }
0x22: {  	[simem:s7], [sflag:s8] =	dma.local @!p0 [hbm:s6], $0xF7A  }
0x23: {  	s9 =	sor.u32 $0xD0000000, s2;
	s6 =	simm.s32 $0x108;
	_ =	swait.ge @!p0 [sflag:s8], $0x0  }
0x24: {  	s3 =	sadd.s32 $0x88, s3;
	s6 =	simm.s32 @!p1 $0x1082;
	[sflag:s4] =	ssyncset.s32 $0xFFFFF086  }
0x25: {  	[simem:s6], [sflag:s4] =	dma.local [hbm:s3], $0xF7A  }
0x26: {  	[smem:$0x3F9F] =	sst s1;
	(tag) =	ssettag s2;
	_ =	strace s9  }
0x27: {  	s1 =	sld [smem:$0x3FAF]  }
0x28: {  	s2 =	sld [smem:$0x3FB0]  }
0x29: {  	s4 =	sld [smem:$0x3FB2]  }
0x2a: {  	p0 =	seq.s32 s5, $0x0;
	s5 =	sld [smem:$0x3FB3]  }
0x2b: {  	s6 =	sld [smem:$0x3FB4]  }
0x2c: {  	s7 =	sld [smem:$0x3FB5]  }
0x2d: {  	s3 =	simm.s32 $0x108;
	s8 =	sld [smem:$0x3FB6]  }
0x2e: {  	s3 =	simm.s32 @!p0 $0x1082;
	s9 =	sld [smem:$0x3FB7]  }
0x2f: {  	lr =	sadd.s32 s0, s3;
	s0 =	sld [smem:$0x3FAE]  }
0x30: {  	s3 =	sld [smem:$0x3FB1]  }
0x31: {  	[smem:$0x3FBA] =	sst s10  }
0x32: {  	s10 =	sld [smem:$0x3FB8];
	_ =	sdelay $0x3  }
0x33: {  	p0 =	seq.s32 s10, $0x1;
	s10 =	sld [smem:$0x3FBA];
	_ =	sdelay $0x3  }
0x34: {  	[smem:$0x3FBA] =	sst s10  }
0x35: {  	s10 =	sld [smem:$0x3FB9];
	_ =	sdelay $0x3  }
0x36: {  	p1 =	seq.s32 s10, $0x1;
	s10 =	sld [smem:$0x3FBA];
	_ =	sdelay $0x3  }
0x37: {  	[smem:$0x3FBA] =	sst s10  }
0x38: {  	s10 =	sld [smem:$0x3FBB]  }
0x39: {  	_ = 	snop;
	(pc) =	sbr.ind lr, $3  }
0x3a: {  	_ = 	snop  }
0x3b: {  	_ = 	snop  }
0x3c: {  	p2 =	seq.s32 s10, $0x1;
	s10 =	sld [smem:$0x3FBA]  }
0x3d: {  	_ =	shalt  }
0x3e: {  	_ =	shalt  }
0x3f: {  	_ =	shalt  }
0x40: {  	_ =	shalt  }
0x41: {  	_ =	shalt  }
0x42: {  	_ =	shalt  }
0x43: {  	_ =	shalt  }
0x44: {  	_ =	shalt  }
0x45: {  	_ =	shalt  }
0x46: {  	_ =	shalt  }
0x47: {  	_ =	shalt  }
0x48: {  	_ =	shalt  }
0x49: {  	_ =	shalt  }
0x4a: {  	_ =	shalt  }
0x4b: {  	_ =	shalt  }
0x4c: {  	_ =	shalt  }
0x4d: {  	_ =	shalt  }
0x4e: {  	_ =	shalt  }
0x4f: {  	_ =	shalt  }
0x50: {  	_ =	shalt  }
0x51: {  	_ =	shalt  }
0x52: {  	_ =	shalt  }
0x53: {  	_ =	shalt  }
0x54: {  	_ =	shalt  }
0x55: {  	_ =	shalt  }
0x56: {  	_ =	shalt  }
0x57: {  	_ =	shalt  }
0x58: {  	_ =	shalt  }
0x59: {  	_ =	shalt  }
0x5a: {  	_ =	shalt  }
0x5b: {  	_ =	shalt  }
0x5c: {  	_ =	shalt  }
0x5d: {  	_ =	shalt  }
0x5e: {  	_ =	shalt  }
0x5f: {  	_ =	shalt  }
0x60: {  	_ =	shalt  }
0x61: {  	_ =	shalt  }
0x62: {  	_ =	shalt  }
0x63: {  	_ =	shalt  }
0x64: {  	_ =	shalt  }
0x65: {  	_ =	shalt  }
0x66: {  	_ =	shalt  }
0x67: {  	_ =	shalt  }
0x68: {  	_ =	shalt  }
0x69: {  	_ =	shalt  }
0x6a: {  	_ =	shalt  }
0x6b: {  	_ =	shalt  }
0x6c: {  	_ =	shalt  }
0x6d: {  	_ =	shalt  }
0x6e: {  	_ =	shalt  }
0x6f: {  	_ =	shalt  }
0x70: {  	_ =	shalt  }
0x71: {  	_ =	shalt  }
0x72: {  	_ =	shalt  }
0x73: {  	_ =	shalt  }
0x74: {  	_ =	shalt  }
0x75: {  	_ =	shalt  }
0x76: {  	_ =	shalt  }
0x77: {  	_ =	shalt  }
0x78: {  	_ =	shalt  }
0x79: {  	_ =	shalt  }
0x7a: {  	_ =	shalt  }
0x7b: {  	_ =	shalt  }
0x7c: {  	_ =	shalt  }
0x7d: {  	_ =	shalt  }
0x7e: {  	_ =	shalt  }
0x7f: {  	_ =	shalt  }
0x80: {  	_ =	shalt  }
0x81: {  	_ =	shalt  }
0x82: {  	_ =	shalt  }
0x83: {  	_ =	shalt  }
0x84: {  	_ =	shalt  }
0x85: {  	_ =	shalt  }
0x86: {  	_ =	shalt  }
0x87: {  	_ =	shalt  }
.Lfunc_end0:
.L_simem_size_0:
called_computation.1_lowered:
.L_overlay_start_0:
0x88: {  	s2 =	sld [smem:$0x3FD9]  }
0x89: {  	s3 =	sld [smem:$0x3FFE];
	_ =	sdelay $0x1  }
0x8a: {  	s1 =	srdreg.scid  }
0x8b: {  	s0 =	sand.u32 $0x1, s1  }
0x8c: {  	s17 =	sshll.u32 s0, $0xA;
	s2 =	sadd.s32 s3, s2  }
0x8d: {  	s2 =	sadd.s32 s2, s17  }
0x8e: {  	[smem:$0x3FC6] =	sst s2  }
0x8f: {  	_ = 	snop  }
0x90: {  	s2 =	sld [smem:$0x3FD0];
	(tm) =	ssettm $0x1  }
0x91: {  	s18 =	sld [smem:$0x3FFB];
	_ =	sdelay $0x3  }
0x92: {  	_ =	strace s18  }
0x93: {  	s3 =	sld [smem:$0x3FFC];
	_ =	sdelay $0x3  }
0x94: {  	_ =	strace s3  }
0x95: {  	s3 =	sld [smem:$0x3FFD];
	_ =	sdelay $0x3  }
0x96: {  	_ =	strace s3  }
0x97: {  	_ =	strace $0x8FFFFFFF  }
0x98: {  	s19 =	sld [smem:$0x3FDB];
	_ =	sdelay $0x1  }
0x99: {  	s4 =	simm.s32 $_scs_section_size  }
0x9a: {  	s5 =	simm.s32 $_size__tile_overlayer_lowered;
	s6 =	simm.s32 $_tile_overlayer_lowered  }
0x9b: {  	s22 =	simm.s32 $0x1BFF;
	s21 =	sshll.u32 s6, $0x1;
	s3 =	sadd.s32 s4, s19  }
0x9c: {  	s7 =	simm.s32 $0x0;
	s20 =	sshll.u32 s5, $0x1;
	s5 =	sadd.s32 s21, s3  }
0x9d: {  	[timem:s7], [sflag:s22] =	dma.local [hbm:s5], s20  }
0x9e: {  	_ =	swait.ge [sflag:s22], s20  }
0x9f: {  	s4 =	ssub.s32 $0x0, s20;
	[sflag:s22] =	ssyncset.done $0x0  }
0xa0: {  	[sflag:s22] =	ssyncadd.s32 s4;
	_ =	sdelay $0x1  }
0xa1: {  	s23 =	simm.s32 $0x1B8B  }
0xa2: {  	_ =	swait.ge [sflag:s23], $0x1  }
0xa3: {  	[sflag:s23] =	ssyncset.done $0x0  }
0xa4: {  	s25 =	simm.s32 $0x1B8E;
	s24 =	sld [smem:$0x3FFE];
	[sflag:s23] =	ssyncadd.s32 $0xFFFFFFFF  }
0xa5: {  	s26 =	simm.s32 $execute0_lowered;
	[smem:$0x3FD2] =	sst s25  }
0xa6: {  	s5 =	sshll.u32 s26, $0x1;
	_ =	strace $0x80000046;
	[dreg:$0x1] =	wrdreg $0xFFFFFFFF  }
0xa7: {  	s28 =	simm.s32 $_size_execute0_lowered;
	s3 =	sadd.s32 s3, s5;
	[dreg:$0x0] =	wrdreg $0x0  }
0xa8: {  	s5 =	sshll.u32 s28, $0x1;
	[dreg:$0x2] =	wrdreg s3  }
0xa9: {  	[dreg:$0x3] =	wrdreg s5  }
0xaa: {  	[dreg:$0x4] =	wrdreg $0xC0  }
0xab: {  	_ =	task [dreg:s7], $0x5FFFF  }
0xac: {  	[dreg:$0x1] =	wrdreg $0xFFFFFFFF  }
0xad: {  	[dreg:$0x0] =	wrdreg $0x60  }
0xae: {  	[dreg:$0x2] =	wrdreg s2  }
0xaf: {  	[dreg:$0x3] =	wrdreg s24  }
0xb0: {  	[dreg:$0x4] =	wrdreg $0x130000  }
0xb1: {  	[dreg:$0x5] =	wrdreg $0x9  }
0xb2: {  	_ =	task.clear_ibuf [dreg:s7], $0x6FFFF;
	_ =	strace $0x90000046  }
0xb3: {  	s29 =	simm.s32 $0x9;
	_ =	strace $0x80000048  }
0xb4: {  	_ =	swait.ge [sflag:s29], $0x1  }
0xb5: {  	[sflag:s29] =	ssyncadd.s32 $0xFFFFFFFF  }
0xb6: {  	_ =	strace $0x90000048  }
0xb7: {  	_ =	sfence  }
0xb8: {  	s30 =	sld [smem:$0x0];
	_ =	sdelay $0x2  }
0xb9: {  	s31 =	sshll.u32 s1, $0xD;
	s1 =	sshrl.u32 s1, $0x2  }
0xba: {  	s3 =	sand.u32 $0x4000, s31;
	s1 =	sadd.s32 s1, s30  }
0xbb: {  	s0 =	sor.u32 s3, s0;
	s1 =	sshll.u32 s1, $0x11  }
0xbc: {  	s0 =	sor.u32 s1, s0  }
0xbd: {  	s0 =	sadd.s32 $0x8F2B, s0  }
0xbe: {  	[sflag:s0] =	ssyncadd.remote.s32 $0x1  }
0xbf: {  	_ =	sfence.sel $0xFFFF  }
0xc0: {  	[dreg:$0x0] =	wrdreg $0xFFFFFFFF;
	(pc) =	sbr.abs _section_cstart, $3  }
0xc1: {  	[dreg:$0x1] =	wrdreg $0xFFFFFFFF  }
0xc2: {  	_ =	task.clear_ibuf [dreg:s7], $0x2FFFF;
	_ =	strace $0x9FFFFFFF  }
0xc3: {  	(tm) =	ssettm $0x7FFFFFFF  }
tec
execute0_lowered:
.L_overlay_start_1:
0x0: {  	(tag) =	ssettag $0x1  }
0x1: {  	s2 =	rddreg [dreg:$0x0]  }
0x2: {  	s0 =	srdreg.scid;
	s4 =	rddreg [dreg:$0x1]  }
0x3: {  	s3 =	stileid.u32;
	s1 =	rddreg [dreg:$0x2]  }
0x4: {  	s7 =	simm.s32 $0x0;
	s9 =	simm.s32 $0x64;
	s16 =	simm.s32 $0xB300  }
0x5: {  	s18 =	simm.s32 $0xCC00;
	s20 =	simm.s32 $0xE500;
	s22 =	simm.s32 $0xFE00  }
0x6: {  	s28 =	simm.s32 $0x80;
	s29 =	simm.s32 $0x9;
	s30 =	simm.s32 $0x2  }
0x7: {  	s31 =	simm.s32 $0xA;
	s11 =	simm.s32 $0xB;
	s13 =	simm.s32 $0x4  }
0x8: {  	s15 =	simm.s32 $0xC;
	s17 =	simm.s32 $0x5;
	s19 =	simm.s32 $0xD  }
0x9: {  	s21 =	simm.s32 $0x6;
	s23 =	simm.s32 $0xE;
	s0 =	sand.u32 $0x1, s0  }
0xa: {  	s5 =	sshll.u32 s3, $0x9;
	[smem:$0x7FF] =	sst s7;
	s24 =	sadd.s32 $0x800, s4  }
0xb: {  	p0 =	sne.s32 s3, $0x0;
	s3 =	simm.s32 $0xF;
	s7 =	simm.s32 $0x0  }
0xc: {  	s6 =	sshll.u32 s0, $0x8;
	_ =	strace $0x80000047;
	s0 =	ssub.s32 $0x2, s0  }
0xd: {  	[dreg:$0x4] =	wrdreg s24;
	s5 =	sor.u32 s6, s5;
	s25 =	sshrl.u32 s0, $0x1  }
0xe: {  	s6 =	sshrl.u32 s5, $0x1;
	s5 =	smul.u32 $0xD, s5;
	s0 =	ssub.s32 s0, s25  }
0xf: {  	s24 =	simm.s32 $0x11700;
	s6 =	smul.u32 $0xC80, s6;
	s0 =	smax.u32 s0, $0x1  }
.Ltmp0:
0x10: {  	s2 =	sadd.s32 s2, s5;
	[dreg:$0x6] =	wrdreg s0;
	(pc) =	sbr.rel .LBB2_1-.Ltmp0, $4  }
0x11: {  	s25 =	simm.s32 $0x1;
	s0 =	sshrl.u32 @!p0 s1, $0x3;
	[dreg:$0x5] =	wrdreg s2  }
0x12: {  	s5 =	simm.s32 $0x10;
	s4 =	sadd.s32 s6, s4;
	[dreg:$0x8] =	wrdreg s0  }
0x13: {  	s0 =	simm.s32 $0x3;
	s2 =	simm.s32 $0x7;
	s26 =	sadd.s32 $0x73C0, s4  }
0x14: {  	s4 =	simm.s32 $0x8;
	[dreg:$0x7] =	wrdreg s26;
	s26 =	simm.s32 $0x40  }
.LBB2_4:
0x15: {  	s7 =	rddreg [dreg:$0x9]  }
0x16: {  	s6 =	rddreg [dreg:$0x6];
	s7 =	sadd.s32 $0x1, s7  }
0x17: {  	p1 =	sne.s32 s7, s6  }
.Ltmp1:
0x18: {  	_ = 	snop;
	(pc) =	sbr.rel @!p1 .LBB2_5-.Ltmp1, $1  }
0x19: {  	_ =	sdelay $0x3  }
.LBB2_1:
0x1a: {  	[dreg:$0x9] =	wrdreg s7  }
0x1b: {  	s7 =	rddreg [dreg:$0x4]  }
0x1c: {  	s6 =	simm.s32 @!p0 $0x1C11;
	s8 =	rddreg [dreg:$0x8]  }
0x1d: {  	[spmem:s8], [sflag:s6] =	dma.local @!p0 [hbm:s7], $0x4000  }
0x1e: {  	s6 =	simm.s32 @!p0 $0x11  }
0x1f: {  	_ =	swait.ge @!p0 [sflag:s6], $0x4000  }
0x20: {  	s12 =	simm.s32 $0x11;
	[sflag:s6] =	ssyncset.done @!p0 $0x0  }
0x21: {  	s8 =	simm.s32 $0x0;
	s10 =	rddreg [dreg:$0x5];
	[sflag:s6] =	ssyncadd.s32 @!p0 $0xFFFFC000  }
0x22: {  	[tilespmem:s8], [sflag:$0x11] =	stream.linear.gather [hbm4b:s10+s8], $0x6800, $0x38;
	[tilespmem:$0x15000] =	vst v63  }
0x23: {  	_ =	swait.ge [sflag:s12], $0x6800  }
0x24: {  	[sflag:s12] =	ssyncset.done $0x0  }
0x25: {  	[sflag:s12] =	ssyncadd.s32 $0xFFFF9800  }
0x26: {  	s14 =	simm.s32 $0x6800;
	[bflag:$0x0] =	sbarrier.arrive $0xFFFF  }
0x27: {  	[tilespmem:s14], [sflag:$0x1] =	stream.indirect.gather [spmem:s1], $0x40, s8, s9, $0xb8;
	[tilespmem:$0x15000] =	vst v63  }
0x28: {  	s10 =	simm.s32 $0x8100;
	s8 =	simm.s32 $0x68  }
0x29: {  	[tilespmem:s10], [sflag:$0x2] =	stream.indirect.gather [spmem:s1], $0x40, s8, s9, $0xb8;
	[tilespmem:$0x15000] =	vst v63  }
0x2a: {  	s12 =	simm.s32 $0xD0;
	s14 =	simm.s32 $0x9A00  }
0x2b: {  	[tilespmem:s14], [sflag:$0x3] =	stream.indirect.gather [spmem:s1], $0x40, s12, s9, $0xb8;
	[tilespmem:$0x15000] =	vst v63  }
0x2c: {  	s7 =	simm.s32 $0x138  }
0x2d: {  	[tilespmem:s16], [sflag:$0x4] =	stream.indirect.gather [spmem:s1], $0x40, s7, s9, $0xb8;
	[tilespmem:$0x15000] =	vst v63  }
0x2e: {  	s8 =	simm.s32 $0x1A0  }
0x2f: {  	[tilespmem:s18], [sflag:$0x5] =	stream.indirect.gather [spmem:s1], $0x40, s8, s9, $0xb8;
	[tilespmem:$0x15000] =	vst v63  }
0x30: {  	s10 =	simm.s32 $0x208  }
0x31: {  	[tilespmem:s20], [sflag:$0x6] =	stream.indirect.gather [spmem:s1], $0x40, s10, s9, $0xb8;
	[tilespmem:$0x15000] =	vst v63  }
0x32: {  	s12 =	simm.s32 $0x270  }
0x33: {  	[tilespmem:s22], [sflag:$0x7] =	stream.indirect.gather [spmem:s1], $0x40, s12, s9, $0xb8;
	[tilespmem:$0x15000] =	vst v63  }
0x34: {  	s6 =	rddreg [dreg:$0x7];
	s14 =	simm.s32 $0x2D8;
	s8 =	simm.s32 $0x0  }
0x35: {  	[tilespmem:s24], [sflag:$0x8] =	stream.indirect.gather [spmem:s1], $0x40, s14, s9, $0xb8;
	[tilespmem:$0x15000] =	vst v63  }
.LBB2_2:
0x36: {  	_ =	swait.ge [sflag:s25], $0x1900  }
0x37: {  	[sflag:s25] =	ssyncset.done $0x0  }
0x38: {  	s7 =	sadd.s32 $0xFFFFD440, s6;
	s10 =	simm.s32 $0x6800;
	[sflag:s25] =	ssyncadd.s32 $0xFFFFE700  }
0x39: {  	[hbm4b:s7+s26] =	stream.strided.scatter [tilespmem:s10], [sflag:$0x9], $0x1900, s28, s26, $0x38;
	[tilespmem:$0x15000] =	vst v63  }
0x3a: {  	p1 =	seq.s32 s8, $0x19300;
	_ =	swait.ge [sflag:s29], $0x1900  }
0x3b: {  	s14 =	simm.s32 @!p1 $0x6800;
	s7 =	sshra.s32 @!p1 s8, $0x2;
	[sflag:s29] =	ssyncset.done $0x0  }
0x3c: {  	s10 =	simm.s32 @!p1 $0x64;
	s12 =	sadd.s32 @!p1 $0x340, s7;
	[sflag:s29] =	ssyncadd.s32 $0xFFFFE700  }
0x3d: {  	[tilespmem:s14], [sflag:$0x1] =	stream.indirect.gather @!p1 [spmem:s1], $0x40, s12, s10, $0xb8;
	[tilespmem:$0x15000] =	vst v63  }
0x3e: {  	_ =	swait.ge [sflag:s30], $0x1900  }
0x3f: {  	[sflag:s30] =	ssyncset.done $0x0  }
0x40: {  	s12 =	sadd.s32 $0xFFFFDA80, s6;
	s14 =	simm.s32 $0x8100;
	[sflag:s30] =	ssyncadd.s32 $0xFFFFE700  }
0x41: {  	[hbm4b:s12+s26] =	stream.strided.scatter [tilespmem:s14], [sflag:$0xA], $0x1900, s28, s26, $0x38;
	[tilespmem:$0x15000] =	vst v63  }
0x42: {  	_ =	swait.ge [sflag:s31], $0x1900  }
0x43: {  	[sflag:s31] =	ssyncset.done $0x0  }
0x44: {  	s12 =	sadd.s32 @!p1 $0x3A8, s7;
	s14 =	simm.s32 @!p1 $0x8100;
	[sflag:s31] =	ssyncadd.s32 $0xFFFFE700  }
0x45: {  	[tilespmem:s14], [sflag:$0x2] =	stream.indirect.gather @!p1 [spmem:s1], $0x40, s12, s10, $0xb8;
	[tilespmem:$0x15000] =	vst v63  }
0x46: {  	_ =	swait.ge [sflag:s0], $0x1900  }
0x47: {  	[sflag:s0] =	ssyncset.done $0x0  }
0x48: {  	s12 =	sadd.s32 $0xFFFFE0C0, s6;
	s14 =	simm.s32 $0x9A00;
	[sflag:s0] =	ssyncadd.s32 $0xFFFFE700  }
0x49: {  	[hbm4b:s12+s26] =	stream.strided.scatter [tilespmem:s14], [sflag:$0xB], $0x1900, s28, s26, $0x38;
	[tilespmem:$0x15000] =	vst v63  }
0x4a: {  	_ =	swait.ge [sflag:s11], $0x1900  }
0x4b: {  	[sflag:s11] =	ssyncset.done $0x0  }
0x4c: {  	s12 =	sadd.s32 @!p1 $0x410, s7;
	s14 =	simm.s32 @!p1 $0x9A00;
	[sflag:s11] =	ssyncadd.s32 $0xFFFFE700  }
0x4d: {  	[tilespmem:s14], [sflag:$0x3] =	stream.indirect.gather @!p1 [spmem:s1], $0x40, s12, s10, $0xb8;
	[tilespmem:$0x15000] =	vst v63  }
0x4e: {  	_ =	swait.ge [sflag:s13], $0x1900  }
0x4f: {  	[sflag:s13] =	ssyncset.done $0x0  }
0x50: {  	s14 =	sadd.s32 $0xFFFFE700, s6;
	[sflag:s13] =	ssyncadd.s32 $0xFFFFE700  }
0x51: {  	[hbm4b:s14+s26] =	stream.strided.scatter [tilespmem:s16], [sflag:$0xC], $0x1900, s28, s26, $0x38;
	[tilespmem:$0x15000] =	vst v63  }
0x52: {  	_ =	swait.ge [sflag:s15], $0x1900  }
0x53: {  	[sflag:s15] =	ssyncset.done $0x0  }
0x54: {  	s12 =	sadd.s32 @!p1 $0x478, s7;
	s14 =	simm.s32 @!p1 $0xB300;
	[sflag:s15] =	ssyncadd.s32 $0xFFFFE700  }
0x55: {  	[tilespmem:s14], [sflag:$0x4] =	stream.indirect.gather @!p1 [spmem:s1], $0x40, s12, s10, $0xb8;
	[tilespmem:$0x15000] =	vst v63  }
0x56: {  	_ =	swait.ge [sflag:s17], $0x1900  }
0x57: {  	[sflag:s17] =	ssyncset.done $0x0  }
0x58: {  	s14 =	sadd.s32 $0xFFFFED40, s6;
	[sflag:s17] =	ssyncadd.s32 $0xFFFFE700  }
0x59: {  	[hbm4b:s14+s26] =	stream.strided.scatter [tilespmem:s18], [sflag:$0xD], $0x1900, s28, s26, $0x38;
	[tilespmem:$0x15000] =	vst v63  }
0x5a: {  	_ =	swait.ge [sflag:s19], $0x1900  }
0x5b: {  	[sflag:s19] =	ssyncset.done $0x0  }
0x5c: {  	s12 =	sadd.s32 @!p1 $0x4E0, s7;
	s14 =	simm.s32 @!p1 $0xCC00;
	[sflag:s19] =	ssyncadd.s32 $0xFFFFE700  }
0x5d: {  	[tilespmem:s14], [sflag:$0x5] =	stream.indirect.gather @!p1 [spmem:s1], $0x40, s12, s10, $0xb8;
	[tilespmem:$0x15000] =	vst v63  }
0x5e: {  	_ =	swait.ge [sflag:s21], $0x1900  }
0x5f: {  	[sflag:s21] =	ssyncset.done $0x0  }
0x60: {  	s14 =	sadd.s32 $0xFFFFF380, s6;
	[sflag:s21] =	ssyncadd.s32 $0xFFFFE700  }
0x61: {  	[hbm4b:s14+s26] =	stream.strided.scatter [tilespmem:s20], [sflag:$0xE], $0x1900, s28, s26, $0x38;
	[tilespmem:$0x15000] =	vst v63  }
0x62: {  	_ =	swait.ge [sflag:s23], $0x1900  }
0x63: {  	[sflag:s23] =	ssyncset.done $0x0  }
0x64: {  	s12 =	sadd.s32 @!p1 $0x548, s7;
	s14 =	simm.s32 @!p1 $0xE500;
	[sflag:s23] =	ssyncadd.s32 $0xFFFFE700  }
0x65: {  	[tilespmem:s14], [sflag:$0x6] =	stream.indirect.gather @!p1 [spmem:s1], $0x40, s12, s10, $0xb8;
	[tilespmem:$0x15000] =	vst v63  }
0x66: {  	_ =	swait.ge [sflag:s2], $0x1900  }
0x67: {  	[sflag:s2] =	ssyncset.done $0x0  }
0x68: {  	s14 =	sadd.s32 $0xFFFFF9C0, s6;
	[sflag:s2] =	ssyncadd.s32 $0xFFFFE700  }
0x69: {  	[hbm4b:s14+s26] =	stream.strided.scatter [tilespmem:s22], [sflag:$0xF], $0x1900, s28, s26, $0x38;
	[tilespmem:$0x15000] =	vst v63  }
0x6a: {  	_ =	swait.ge [sflag:s3], $0x1900  }
0x6b: {  	[sflag:s3] =	ssyncset.done $0x0  }
0x6c: {  	s7 =	sadd.s32 @!p1 $0x5B0, s7;
	s12 =	simm.s32 @!p1 $0xFE00;
	[sflag:s3] =	ssyncadd.s32 $0xFFFFE700  }
0x6d: {  	[tilespmem:s12], [sflag:$0x7] =	stream.indirect.gather @!p1 [spmem:s1], $0x40, s7, s10, $0xb8;
	[tilespmem:$0x15000] =	vst v63  }
0x6e: {  	_ =	swait.ge [sflag:s4], $0x1900  }
0x6f: {  	[sflag:s4] =	ssyncset.done $0x0  }
.Ltmp2:
0x70: {  	[sflag:s4] =	ssyncadd.s32 $0xFFFFE700;
	(pc) =	sbr.rel @p1 .LBB2_4-.Ltmp2, $4  }
0x71: {  	[hbm4b:s6+s26] =	stream.strided.scatter [tilespmem:s24], [sflag:$0x10], $0x1900, s28, s26, $0x38;
	[tilespmem:$0x15000] =	vst v63  }
0x72: {  	_ =	swait.ge [sflag:s5], $0x1900  }
0x73: {  	[sflag:s5] =	ssyncset.done $0x0  }
0x74: {  	[sflag:s5] =	ssyncadd.s32 $0xFFFFE700  }
.Ltmp3:
0x75: {  	(pc) =	sbr.rel .LBB2_2-.Ltmp3, $4  }
0x76: {  	_ = 	snop  }
0x77: {  	s7 =	sshra.s32 s8, $0x2  }
0x78: {  	s8 =	sadd.s32 $0xD00, s8;
	s6 =	sadd.s32 $0x3200, s6;
	s7 =	sadd.s32 $0x618, s7  }
0x79: {  	[tilespmem:s24], [sflag:$0x8] =	stream.indirect.gather [spmem:s1], $0x40, s7, s9, $0xb8;
	[tilespmem:$0x15000] =	vst v63  }
.LBB2_5:
0x7a: {  	_ =	sfence.sel $0x180000  }
0x7b: {  	[bflag:$0x0] =	sbarrier.arrive $0xFFFF  }
0x7c: {  	_ =	strace $0x90000047  }
0x7d: {  	[bflag:$0x2] =	sbarrier.arrive $0xFFFF  }
0x7e: {  	s0 =	rddreg [dreg:$0x3]  }
0x7f: {  	s0 =	sadd.s32 @!p0 $0x100000, s0  }
0x80: {  	[sflag:s0] =	ssyncadd.tile.s32 @!p0 $0x1;
	_ =	shalt  }
.Lfunc_end2:
_tile_overlayer_lowered:
.L_overlay_start_2:
0x81: {  	(tag) =	ssettag $0x2  }
0x82: {  	s0 =	rddreg [dreg:$0x0];
	s2 =	stileid.u32  }
0x83: {  	s1 =	rddreg [dreg:$0x1];
	p0 =	sne.s32 s2, $0x0  }
0x84: {  	s3 =	rddreg [dreg:$0x2];
	[bflag:$0x3] =	sbarrier.arrive $0xFFFF;
	s2 =	simm.s32 @!p0 $0x1C11  }
0x85: {  	[timem:s3], [sflag:s2] =	dma.local @!p0 [hbm:s0], s1  }
0x86: {  	s0 =	simm.s32 @!p0 $0x11  }
0x87: {  	_ =	swait.ge @!p0 [sflag:s0], s1  }
0x88: {  	s1 =	ssub.s32 @!p0 $0x0, s1;
	[sflag:s0] =	ssyncset.done @!p0 $0x0  }
0x89: {  	[sflag:s0] =	ssyncadd.s32 @!p0 s1  }
0x8a: {  	[bflag:$0x3] =	sbarrier.arrive $0xFFFF  }
0x8b: {  	_ =	shalt  }

// kernel: sparse-core-data-format-call.cloned.1.call-start
scs
called_computation_lowered:
.L_overlay_start_0:
0x0: {  	s2 =	sld [smem:$0x3FD9]  }
0x1: {  	s3 =	sld [smem:$0x3FFE];
	_ =	sdelay $0x1  }
0x2: {  	s1 =	srdreg.scid  }
0x3: {  	s0 =	sand.u32 $0x1, s1  }
0x4: {  	s18 =	sshll.u32 s0, $0xA;
	s2 =	sadd.s32 s3, s2  }
0x5: {  	s2 =	sadd.s32 s2, s18  }
0x6: {  	[smem:$0x3FC6] =	sst s2  }
0x7: {  	_ = 	snop  }
0x8: {  	s2 =	sld [smem:$0x3FD0];
	(tm) =	ssettm $0x1  }
0x9: {  	s19 =	sld [smem:$0x3FFB];
	_ =	sdelay $0x3  }
0xa: {  	_ =	strace s19  }
0xb: {  	s3 =	sld [smem:$0x3FFC];
	_ =	sdelay $0x3  }
0xc: {  	_ =	strace s3  }
0xd: {  	s3 =	sld [smem:$0x3FFD];
	_ =	sdelay $0x3  }
0xe: {  	_ =	strace s3  }
0xf: {  	_ =	strace $0x8FFFFFFF  }
0x10: {  	s20 =	sld [smem:$0x3FDB];
	_ =	sdelay $0x1  }
0x11: {  	s4 =	simm.s32 $_scs_section_size  }
0x12: {  	s5 =	simm.s32 $_size__tile_overlayer_lowered;
	s6 =	simm.s32 $_tile_overlayer_lowered  }
0x13: {  	s23 =	simm.s32 $0x1BFF;
	s22 =	sshll.u32 s6, $0x1;
	s3 =	sadd.s32 s4, s20  }
0x14: {  	s7 =	simm.s32 $0x0;
	s21 =	sshll.u32 s5, $0x1;
	s5 =	sadd.s32 s22, s3  }
0x15: {  	[timem:s7], [sflag:s23] =	dma.local [hbm:s5], s21  }
0x16: {  	_ =	swait.ge [sflag:s23], s21  }
0x17: {  	s4 =	ssub.s32 $0x0, s21;
	[sflag:s23] =	ssyncset.done $0x0  }
0x18: {  	[sflag:s23] =	ssyncadd.s32 s4;
	_ =	sdelay $0x1  }
0x19: {  	s24 =	simm.s32 $0x1B8B  }
0x1a: {  	_ =	swait.ge [sflag:s24], $0x1  }
0x1b: {  	[sflag:s24] =	ssyncset.done $0x0  }
0x1c: {  	s26 =	simm.s32 $0x1B8E;
	s25 =	sld [smem:$0x3FFE];
	[sflag:s24] =	ssyncadd.s32 $0xFFFFFFFF  }
0x1d: {  	s27 =	simm.s32 $execute0_lowered;
	[smem:$0x3FD2] =	sst s26  }
0x1e: {  	s5 =	sshll.u32 s27, $0x1;
	_ =	strace $0x80000049;
	[dreg:$0x1] =	wrdreg $0xFFFFFFFF  }
0x1f: {  	s28 =	simm.s32 $_size_execute0_lowered;
	s3 =	sadd.s32 s3, s5;
	[dreg:$0x0] =	wrdreg $0x0  }
0x20: {  	s5 =	sshll.u32 s28, $0x1;
	[dreg:$0x2] =	wrdreg s3  }
0x21: {  	[dreg:$0x3] =	wrdreg s5  }
0x22: {  	[dreg:$0x4] =	wrdreg $0xC0  }
0x23: {  	_ =	task [dreg:s7], $0x5FFFF  }
0x24: {  	[dreg:$0x1] =	wrdreg $0xFFFFFFFF  }
0x25: {  	[dreg:$0x0] =	wrdreg $0x60  }
0x26: {  	[dreg:$0x2] =	wrdreg s25  }
0x27: {  	[dreg:$0x3] =	wrdreg s2  }
0x28: {  	[dreg:$0x4] =	wrdreg $0x9  }
0x29: {  	_ =	task.clear_ibuf [dreg:s7], $0x5FFFF;
	_ =	strace $0x90000049  }
0x2a: {  	s29 =	simm.s32 $0x9;
	_ =	strace $0x8000004B  }
0x2b: {  	_ =	swait.ge [sflag:s29], $0x1  }
0x2c: {  	[sflag:s29] =	ssyncadd.s32 $0xFFFFFFFF  }
0x2d: {  	_ =	strace $0x9000004B  }
0x2e: {  	_ =	sfence  }
0x2f: {  	s30 =	sld [smem:$0x0];
	_ =	sdelay $0x2  }
0x30: {  	s31 =	sshll.u32 s1, $0xD;
	s1 =	sshrl.u32 s1, $0x2  }
0x31: {  	s3 =	sand.u32 $0x4000, s31;
	s1 =	sadd.s32 s1, s30  }
0x32: {  	s0 =	sor.u32 s3, s0;
	s1 =	sshll.u32 s1, $0x11  }
0x33: {  	s0 =	sor.u32 s1, s0  }
0x34: {  	s0 =	sadd.s32 $0x8F2B, s0  }
0x35: {  	[sflag:s0] =	ssyncadd.remote.s32 $0x1  }
0x36: {  	_ =	sfence.sel $0xFFFF  }
0x37: {  	[dreg:$0x0] =	wrdreg $0xFFFFFFFF;
	(pc) =	sbr.abs _section_cstart, $3  }
0x38: {  	[dreg:$0x1] =	wrdreg $0xFFFFFFFF  }
0x39: {  	_ =	task.clear_ibuf [dreg:s7], $0x2FFFF;
	_ =	strace $0x9FFFFFFF  }
0x3a: {  	(tm) =	ssettm $0x7FFFFFFF  }
0x3b: {  	_ =	shalt  }
tec
execute0_lowered:
.L_overlay_start_1:
0x0: {  	(tag) =	ssettag $0x1  }
0x1: {  	s0 =	srdreg.scid  }
0x2: {  	s1 =	sshll.u32 s0, $0x4  }
0x3: {  	s0 =	stileid.u32;
	s1 =	sand.u32 $0x10, s1  }
0x4: {  	s1 =	sor.u32 s0, s1  }
0x5: {  	s6 =	rddreg [dreg:$0x0];
	s4 =	simm.s32 $0x1;
	s2 =	sshll.u32 s1, $0x7  }
0x6: {  	s7 =	simm.s32 $0x2;
	s12 =	simm.s32 $0x0;
	s1 =	ssub.s32 $0x1000, s2  }
0x7: {  	s8 =	simm.s32 $0x8000;
	s13 =	simm.s32 $0x0;
	s3 =	sand.u32 $0xF80, s1  }
0x8: {  	s9 =	simm.s32 $0x0;
	s5 =	sshrl.u32 s1, $0xC;
	p0 =	sne.s32 s3, $0x0  }
.Ltmp0:
0x9: {  	s1 =	rddreg [dreg:$0x2];
	s4 =	simm.s32 @!p0 $0x0;
	(pc) =	sbr.rel .LBB1_1-.Ltmp0, $4  }
0xa: {  	s11 =	simm.s32 $0x0;
	s3 =	rddreg [dreg:$0x1];
	s5 =	sadd.s32 s4, s5  }
0xb: {  	_ =	strace $0x8000004A;
	s4 =	simm.s32 $0x1;
	s5 =	smul.u32 $0xC8, s5  }
0xc: {  	s6 =	sadd.s32 $0x4800, s6;
	s10 =	smov.u32 s2;
	[sflag:s4] =	ssyncpa.u1 $0x0  }
0xd: {  	p0 =	por $0x0, $0x0;
	[sflag:s7] =	ssyncpa.u1 $0x0;
	s7 =	sor.u32 $0x1, s5  }
.LBB1_4:
0xe: {  	s16 =	sshll.u32 s13, $0x3;
	s17 =	sand.u32 $0x78, s13  }
0xf: {  	s30 =	sand.u32 $0x7E00, s13;
	s12 =	sshll.u32 s12, $0xF;
	s16 =	sand.u32 $0xC00, s16  }
0x10: {  	[tilespmem:s15+$0x810 ss:$0x81] =	vst.msk $0xffff, v2;
	s31 =	sand.u32 $0x7, s13;
	s16 =	sor.u32 s17, s16;
	s17 =	sadd.s32 s3, s30  }
0x11: {  	[tilespmem:s15+$0x1020 ss:$0x81] =	vst.msk $0xffff, v0;
	s13 =	sshll.u32 s31, $0x12;
	s12 =	sadd.s32 s12, s17;
	s16 =	sshrl.u32 s16, $0x3  }
0x12: {  	[tilespmem:s15+$0x0 ss:$0x81] =	vst.msk $0xffff, v1;
	s13 =	sor.u32 $0x400, s13;
	s12 =	sadd.s32 s16, s12  }
0x13: {  	[hbm4b:s12+s13] =	stream.strided.scatter [tilespmem:s14], [sflag:$0x2], $0x2000, s8, s13, $0x20;
	[tilespmem:$0x8080] =	vst v63  }
.LBB1_5:
0x14: {  	s14 =	sadd.s32 $0x1, s9  }
0x15: {  	s12 =	sadd.s32 $0x1000, s10;
	s16 =	smov.u32 s10;
	p2 =	sgt.s32 s14, $0xC7  }
0x16: {  	s16 =	smov.u32 @p2 s12  }
0x17: {  	s14 =	simm.s32 @p2 $0x0;
	p2 =	sgt.s32 s16, $0xFFF  }
0x18: {  	s16 =	smov.u32 @p2 s2;
	p2 =	sne.s32 s11, s7  }
.Ltmp1:
0x19: {  	p1 =	slt.u32 s11, $0x2;
	(pc) =	sbr.rel @!p2 .LBB1_6-.Ltmp1, $4  }
0x1a: {  	s15 =	simm.s32 @!p1 $0x2  }
0x1b: {  	s13 =	smov.u32 s10;
	p0 =	por !p0, !p0;
	_ =	swait.ge @!p1 [sflag:s15], $0x2000  }
0x1c: {  	s12 =	smov.u32 s9;
	[sflag:s15] =	ssyncset.done @!p1 $0x0;
	s9 =	smov.u32 s14  }
0x1d: {  	s11 =	sadd.s32 $0x1, s11;
	[sflag:s15] =	ssyncadd.s32 @!p1 $0xFFFFE000;
	s10 =	smov.u32 s16  }
.LBB1_1:
0x1e: {  	p1 =	sge.u32 s11, s5  }
0x1f: {  	s14 =	sand.u32 @!p1 $0x1FFFFFF, s9  }
0x20: {  	s15 =	smulhi.u32 @!p1 $0x147AE15, s14;
	_ =	sdelay $0x1  }
0x21: {  	s15 =	smul.u32 @!p1 $0xC8, s15  }
0x22: {  	s16 =	sxor.u32 @!p1 $0xFFFFFFFF, s11;
	s17 =	smul.u32 @!p1 $0xC80, s10  }
0x23: {  	s31 =	sadd.s32 $0xFFFFFFFF, s11;
	s16 =	sshll.u32 @!p1 s16, $0xD;
	s14 =	ssub.s32 @!p1 s14, s15  }
0x24: {  	s15 =	sand.u32 @!p1 $0x2000, s16;
	s16 =	sadd.s32 @!p1 s6, s17;
	s14 =	sshll.u32 @!p1 s14, $0x4  }
0x25: {  	s17 =	simm.s32 @!p1 $0x6400;
	s14 =	sadd.s32 @!p1 s14, s16;
	s16 =	simm.s32 @!p1 $0x40  }
0x26: {  	[tilespmem:s15], [sflag:$0x1] =	stream.strided.gather @!p1 [hbm4b:s14+s16], $0x2000, s17, s16, $0x38;
	[tilespmem:$0x8080] =	vst v63  }
0x27: {  	p1 =	sge.u32 s31, s5  }
.Ltmp2:
0x28: {  	_ = 	snop;
	(pc) =	sbr.rel @p1 .LBB1_5-.Ltmp2, $1  }
0x29: {  	_ =	sdelay $0x3  }
0x2a: {  	s14 =	simm.s32 $0x1  }
0x2b: {  	_ =	swait.ge [sflag:s4], $0x2000;
	s14 =	simm.s32 @!p0 $0x0  }
0x2c: {  	[sflag:s4] =	ssyncset.done $0x0;
	s15 =	sshll.u32 s14, $0xD  }
0x2d: {  	[sflag:s4] =	ssyncadd.s32 $0xFFFFE000;
	s18 =	sor.u32 $0x20, s15  }
0x2e: {  	s14 =	smul.u32 $0x8100, s14;
	v3 =	vld [tilespmem:s18+$0x10]  }
0x2f: {  	s30 =	sand.u32 $0x1, s11;
	v2 =	vld [tilespmem:s18+$0xFFFFFFF0]  }
0x30: {  	s15 =	smul.u32 $0x8100, s30;
	s14 =	sshrl.u32 s14, $0x2;
	v0 =	vld [tilespmem:s18+$0x0]  }
0x31: {  	v1 =	vld [tilespmem:s18+$0xFFFFFFE0];
	s16 =	sor.u32 $0x4000, s14  }
0x32: {  	s31 =	sshrl.u32 s15, $0x2;
	s15 =	sadd.s32 $0x0, s16  }
0x33: {  	s17 =	simm.s32 $0x4;
	s18 =	sadd.s32 $0x40, s18;
	s14 =	sor.u32 $0x4000, s31;
	[tilespmem:s15+$0x1830 ss:$0x81] =	vst.msk $0xffff, v3  }
.LBB1_3:
0x34: {  	v3 =	vld [tilespmem:s18+$0x10];
	p1 =	sne.s32 s17, $0x1FC;
	[tilespmem:s15+$0x810 ss:$0x81] =	vst.msk $0xffff, v2;
	s19 =	smov.u32 s17;
	s17 =	sadd.s32 $0x4, s17  }
.Ltmp3:
0x35: {  	v2 =	vld [tilespmem:s18+$0xFFFFFFF0];
	[tilespmem:s15+$0x1020 ss:$0x81] =	vst.msk $0xffff, v0;
	(pc) =	sbr.rel @p1 .LBB1_3-.Ltmp3, $4  }
0x36: {  	v0 =	vld [tilespmem:s18+$0x0];
	[tilespmem:s15+$0x0 ss:$0x81] =	vst.msk $0xffff, v1  }
0x37: {  	s15 =	sshra.s32 s19, $0x2;
	v1 =	vld [tilespmem:s18+$0xFFFFFFE0]  }
0x38: {  	s15 =	sadd.s32 s15, s16  }
0x39: {  	s18 =	sadd.s32 $0x40, s18;
	[tilespmem:s15+$0x1830 ss:$0x81] =	vst.msk $0xffff, v3  }
.Ltmp4:
0x3a: {  	_ = 	snop;
	(pc) =	sbr.rel .LBB1_4-.Ltmp4, $1  }
0x3b: {  	_ =	sdelay $0x3  }
.LBB1_6:
0x3c: {  	_ =	sfence.sel $0x180000  }
0x3d: {  	s2 =	simm.s32 $0x1;
	[bflag:$0x0] =	sbarrier.arrive $0xFFFF  }
0x3e: {  	s31 =	simm.s32 $0x2;
	[sflag:s2] =	ssyncpa.u1 $0x1  }
0x3f: {  	[sflag:s31] =	ssyncpa.u1 $0x1  }
0x40: {  	p0 =	sne.s32 s0, $0x0;
	_ =	strace $0x9000004A  }
0x41: {  	s0 =	sadd.s32 @!p0 $0x100000, s1;
	[bflag:$0x2] =	sbarrier.arrive $0xFFFF  }
0x42: {  	[sflag:s0] =	ssyncadd.tile.s32 @!p0 $0x1;
	_ =	shalt  }
.Lfunc_end1:
_tile_overlayer_lowered:
.L_overlay_start_2:
0x43: {  	(tag) =	ssettag $0x2  }
0x44: {  	s0 =	rddreg [dreg:$0x0];
	s2 =	stileid.u32  }
0x45: {  	s1 =	rddreg [dreg:$0x1];
	p0 =	sne.s32 s2, $0x0  }
0x46: {  	s3 =	rddreg [dreg:$0x2];
	[bflag:$0x3] =	sbarrier.arrive $0xFFFF;
	s2 =	simm.s32 @!p0 $0x1C01  }
0x47: {  	[timem:s3], [sflag:s2] =	dma.local @!p0 [hbm:s0], s1  }
0x48: {  	s0 =	simm.s32 @!p0 $0x1  }
0x49: {  	_ =	swait.ge @!p0 [sflag:s0], s1  }
0x4a: {  	s1 =	ssub.s32 @!p0 $0x0, s1;
	[sflag:s0] =	ssyncset.done @!p0 $0x0  }
0x4b: {  	[sflag:s0] =	ssyncadd.s32 @!p0 s1  }
0x4c: {  	[bflag:$0x3] =	sbarrier.arrive $0xFFFF  }
0x4d: {  	_ =	shalt  }

</sc_bundles>
